<compile_context>
chip_gen: v7x
topology: tpu7x:2x2x1
jax: 0.10.2.dev20260603
libtpu: 0.0.44.dev20260713+nightly
codegen_flags: <defaults>
</compile_context>

<pallas_src>
import functools

import jax
import jax.numpy as jnp
from jax import lax
from jax.experimental import pallas as pl
from jax.experimental.pallas import tpu as pltpu
from jax.experimental.pallas import tpu_sc as plsc

UNITS = 4
LB = -17.0
UB = 8.0
STEP = 0.05
NUM_BUCKETS = int((UB - LB) / STEP) + 1
RESIDUE = LB - STEP

_NB_PAD = 512
_U_PAD = 8
_B = 16384
_NW = 32
_COLS = _B // _NW
_CVECS = _COLS // 16


def _prep_body(v_ref, b_ref, w_ref, q_ref):
    v = v_ref[...]
    w = jnp.maximum(v, 0.0)
    row = lax.broadcasted_iota(jnp.int32, (_NB_PAD, _NB_PAD), 0)
    col = lax.broadcasted_iota(jnp.int32, (_NB_PAD, _NB_PAD), 1)
    m = jnp.where(row < col, jnp.float32(1.0), jnp.float32(0.0))
    p = jax.lax.dot(w, m, precision=jax.lax.Precision.HIGHEST)
    w_ref[...] = w
    q_ref[...] = p * jnp.float32(STEP) + jnp.float32(RESIDUE) + b_ref[...]


def _prep_tables(v_pad, b_pad):
    return pl.pallas_call(
        _prep_body,
        out_shape=[
            jax.ShapeDtypeStruct((_U_PAD, _NB_PAD), jnp.float32),
            jax.ShapeDtypeStruct((_U_PAD, _NB_PAD), jnp.float32),
        ],
    )(v_pad, b_pad)


def _sc_body(xt_hbm, q_hbm, w_hbm, out_hbm, x_v, q_v, w_v, o_v, s0, s1, s2):
    wid = lax.axis_index("s") * 2 + lax.axis_index("c")
    base = wid * _COLS
    cx = pltpu.async_copy(xt_hbm.at[:, pl.ds(base, _COLS)], x_v, s0)
    cq = pltpu.async_copy(q_hbm, q_v, s1)
    cw = pltpu.async_copy(w_hbm, w_v, s2)
    cx.wait()
    cq.wait()
    cw.wait()

    c_lb = jnp.float32(LB + 1e-09)
    c_ub = jnp.float32(UB - 1e-09)
    c_lbs = jnp.float32(LB)
    c_step = jnp.float32(STEP)

    for u in range(UNITS):
        u_vec = jnp.full((16,), u, jnp.int32)

        @plsc.parallel_loop(0, _CVECS, unroll=16)
        def _loop(i, u=u, u_vec=u_vec):
            off = i * 16
            xv = x_v[u, pl.ds(off, 16)]
            xc = jnp.minimum(jnp.maximum(xv, c_lb), c_ub)
            t = (xc - c_lbs + c_step) / c_step
            k = t.astype(jnp.int32)
            k = jnp.minimum(jnp.maximum(k, 0), NUM_BUCKETS - 1)
            delta = xc - c_lbs + c_step - k.astype(jnp.float32) * c_step
            qv = plsc.load_gather(q_v, [u_vec, k])
            wv = plsc.load_gather(w_v, [u_vec, k])
            z = qv + delta * wv
            o_v[u, pl.ds(off, 16)] = jnp.float32(1.0) / (
                jnp.float32(1.0) + jnp.exp(-z)
            )

    pltpu.sync_copy(o_v, out_hbm.at[:, pl.ds(base, _COLS)])


@jax.jit
def _sc_main(xt, q_tab, w_tab):
    mesh = plsc.VectorSubcoreMesh(core_axis_name="c", subcore_axis_name="s")
    f = pl.kernel(
        _sc_body,
        mesh=mesh,
        compiler_params=pltpu.CompilerParams(needs_layout_passes=False),
        out_type=jax.ShapeDtypeStruct((UNITS, _B), jnp.float32),
        scratch_types=[
            pltpu.VMEM((UNITS, _COLS), jnp.float32),
            pltpu.VMEM((_U_PAD, _NB_PAD), jnp.float32),
            pltpu.VMEM((_U_PAD, _NB_PAD), jnp.float32),
            pltpu.VMEM((UNITS, _COLS), jnp.float32),
            pltpu.SemaphoreType.DMA,
            pltpu.SemaphoreType.DMA,
            pltpu.SemaphoreType.DMA,
        ],
    )
    return f(xt, q_tab, w_tab)


def kernel(x, v, b):
    if x.ndim == 1:
        x = jnp.broadcast_to(x[:, None], (x.shape[0], UNITS))
    v_pad = jnp.zeros((_U_PAD, _NB_PAD), jnp.float32).at[:UNITS, :NUM_BUCKETS].set(v)
    b_pad = jnp.zeros((_U_PAD, 1), jnp.float32).at[:UNITS, 0].set(b)
    w_tab, q_tab = _prep_tables(v_pad, b_pad)
    out_t = _sc_main(x.T, q_tab, w_tab)
    return out_t.T

# --- scband reference (transcript-rebuilt; emitter-appended) ---
"""Pipeline reference for scband-isotonic-layer-28956669510291 (READ-ONLY COPY).

The authoritative reference and input builder live on the scoring server;
editing this copy changes nothing except your own understanding.
"""

import jax, jax.numpy as jnp
import numpy as np

UNITS = 4
LB = -17.0
UB = 8.0
STEP = 0.05
W_INIT_FACTOR = 0.5
NUM_BUCKETS = int((UB - LB) / STEP) + 1
RESIDUE = LB - STEP


def setup_inputs(seed: int = 0) -> dict:
    key = jax.random.key(seed)
    kx, = jax.random.split(key, 1)
    x = jax.random.normal(kx, (16384, UNITS), dtype=jnp.float32)
    v = jnp.ones((UNITS, NUM_BUCKETS), dtype=jnp.float32) * W_INIT_FACTOR
    b = jnp.zeros((UNITS,), dtype=jnp.float32)
    return {"x": x, "v": v, "b": b}


def reference(x, v, b):
    units = v.shape[0]
    num_buckets = v.shape[1]
    if x.ndim == 1:
        x = jnp.broadcast_to(x[:, None], (x.shape[0], units))
    x_clipped = jnp.clip(x, LB + 1e-09, UB - 1e-09)
    indx = ((x_clipped - LB + STEP) / STEP).astype(jnp.int32)
    indx = jnp.clip(indx, 0, num_buckets - 1)
    range_vec = jnp.arange(num_buckets).reshape(1, 1, -1)
    expand_indx = indx[:, :, None]
    activation_vector = jnp.where(range_vec < expand_indx, jnp.float32(STEP), jnp.float32(0.0))
    delta = x_clipped - LB + STEP - indx.astype(jnp.float32) * STEP
    # scatter-overwrite along axis 2 at expand_indx with delta (one index per (b,u) slice)
    final_activation = jnp.where(range_vec == expand_indx, delta[:, :, None], activation_vector)
    weights = jax.nn.relu(v)
    logits = jnp.sum(final_activation * weights[None, :, :], axis=2) + RESIDUE + b
    return jax.nn.sigmoid(logits)

if __name__ == "__main__":
    import jax
    _d = setup_inputs()
    print(jax.jit(kernel)(*tuple(_d.values())))

</pallas_src>

<mosaic_0001>
#map = affine_map<(d0, d1) -> (0, 0)>
module attributes {stable_mosaic.version = 14 : i64} {
  func.func @_sc_body(%arg0: i32, %arg1: i32, %arg2: memref<4x16384xf32, #tpu.memory_space<hbm>>, %arg3: memref<8x512xf32, #tpu.memory_space<hbm>>, %arg4: memref<8x512xf32, #tpu.memory_space<hbm>>, %arg5: memref<4x16384xf32, #tpu.memory_space<hbm>>, %arg6: memref<4x512xf32, #tpu.memory_space<vmem>>, %arg7: memref<8x512xf32, #tpu.memory_space<vmem>>, %arg8: memref<8x512xf32, #tpu.memory_space<vmem>>, %arg9: memref<4x512xf32, #tpu.memory_space<vmem>>, %arg10: memref<!tpu.dma_semaphore, #tpu.memory_space<semaphore_mem>>, %arg11: memref<!tpu.dma_semaphore, #tpu.memory_space<semaphore_mem>>, %arg12: memref<!tpu.dma_semaphore, #tpu.memory_space<semaphore_mem>>) attributes {dimension_semantics = [#tpu.dimension_semantics<core_parallel>, #tpu.dimension_semantics<subcore_parallel>], iteration_bounds = array<i64: 2, 16>, scalar_prefetch = 0 : i64, scratch_operands = 7 : i64, tpu.core_type = #tpu.core_type<sc_vector_subcore>, window_params = [{transform_indices = #map}, {transform_indices = #map}, {transform_indices = #map}, {transform_indices = #map}]} {
    %mul3A = arith.constant 2 : i32
    %mul3A_0 = arith.muli %arg1, %mul3A : i32
    %add3A = arith.addi %mul3A_0, %arg0 : i32
    %mul3A_1 = arith.constant 512 : i32
    %mul3A_2 = arith.muli %add3A, %mul3A_1 : i32
    %dma_start3A = arith.constant 0 : i32
    %dma_start3A_3 = tpu.memref_slice %arg2[%dma_start3A, %mul3A_2] : memref<4x16384xf32, #tpu.memory_space<hbm>> -> memref<4x512xf32, #tpu.memory_space<hbm>>
    %dma_start3A_4 = arith.constant 0 : i32
    %dma_start3A_5 = tpu.memref_slice %arg2[%dma_start3A_4, %mul3A_2] : memref<4x16384xf32, #tpu.memory_space<hbm>> -> memref<4x512xf32, #tpu.memory_space<hbm>>
    tpu.enqueue_dma source(%dma_start3A_5 : memref<4x512xf32, #tpu.memory_space<hbm>>) target(%arg6 : memref<4x512xf32, #tpu.memory_space<vmem>>) target_semaphore(%arg10 : memref<!tpu.dma_semaphore, #tpu.memory_space<semaphore_mem>>)
    tpu.enqueue_dma source(%arg3 : memref<8x512xf32, #tpu.memory_space<hbm>>) target(%arg7 : memref<8x512xf32, #tpu.memory_space<vmem>>) target_semaphore(%arg11 : memref<!tpu.dma_semaphore, #tpu.memory_space<semaphore_mem>>)
    tpu.enqueue_dma source(%arg4 : memref<8x512xf32, #tpu.memory_space<hbm>>) target(%arg8 : memref<8x512xf32, #tpu.memory_space<vmem>>) target_semaphore(%arg12 : memref<!tpu.dma_semaphore, #tpu.memory_space<semaphore_mem>>)
    %dma_wait3A = arith.constant 0 : i32
    %dma_wait3A_6 = tpu.memref_slice %arg2[%dma_wait3A, %mul3A_2] : memref<4x16384xf32, #tpu.memory_space<hbm>> -> memref<4x512xf32, #tpu.memory_space<hbm>>
    %dma_wait3A_7 = arith.constant 0 : i32
    %dma_wait3A_8 = tpu.memref_slice %arg2[%dma_wait3A_7, %mul3A_2] : memref<4x16384xf32, #tpu.memory_space<hbm>> -> memref<4x512xf32, #tpu.memory_space<hbm>>
    tpu.wait_dma2 semaphore(%arg10 : memref<!tpu.dma_semaphore, #tpu.memory_space<semaphore_mem>>) src(%dma_wait3A_8 : memref<4x512xf32, #tpu.memory_space<hbm>>) dst(%arg6 : memref<4x512xf32, #tpu.memory_space<vmem>>)
    tpu.wait_dma2 semaphore(%arg11 : memref<!tpu.dma_semaphore, #tpu.memory_space<semaphore_mem>>) src(%arg3 : memref<8x512xf32, #tpu.memory_space<hbm>>) dst(%arg7 : memref<8x512xf32, #tpu.memory_space<vmem>>)
    tpu.wait_dma2 semaphore(%arg12 : memref<!tpu.dma_semaphore, #tpu.memory_space<semaphore_mem>>) src(%arg4 : memref<8x512xf32, #tpu.memory_space<hbm>>) dst(%arg8 : memref<8x512xf32, #tpu.memory_space<vmem>>)
    %broadcast_in_dim3A = arith.constant 0 : i32
    %broadcast_in_dim3A_9 = vector.broadcast %broadcast_in_dim3A : i32 to vector<16xi32>
    %parallel_loop3A = arith.constant 0 : i32
    %parallel_loop3A_10 = arith.constant 32 : i32
    %parallel_loop3A_11 = arith.constant 1 : i32
    %parallel_loop3A_12 = arith.constant -1.700000e+01 : f32
    %parallel_loop3A_13 = arith.constant 8.000000e+00 : f32
    %parallel_loop3A_14 = arith.constant -1.700000e+01 : f32
    %parallel_loop3A_15 = arith.constant 5.000000e-02 : f32
    scf.for %parallel_loop3A_43 = %parallel_loop3A to %parallel_loop3A_10 step %parallel_loop3A_11  : i32 {
      %parallel_loop3A_44 = arith.constant 16 : i32
      %parallel_loop3A_45 = arith.muli %parallel_loop3A_43, %parallel_loop3A_44 : i32
      %parallel_loop3A_46 = arith.constant 0 : i32
      %parallel_loop3A_47 = arith.index_cast %parallel_loop3A_46 : i32 to index
      %parallel_loop3A_48 = arith.index_cast %parallel_loop3A_45 : i32 to index
      %parallel_loop3A_49 = tpu.vector_load %arg6[%parallel_loop3A_47, %parallel_loop3A_48] {strides = array<i32>} : memref<4x512xf32, #tpu.memory_space<vmem>>, vector<16xf32>,
      %parallel_loop3A_50 = vector.broadcast %parallel_loop3A_12 : f32 to vector<16xf32>
      %parallel_loop3A_51 = arith.maximumf %parallel_loop3A_49, %parallel_loop3A_50 : vector<16xf32>
      %parallel_loop3A_52 = vector.broadcast %parallel_loop3A_13 : f32 to vector<16xf32>
      %parallel_loop3A_53 = arith.minimumf %parallel_loop3A_51, %parallel_loop3A_52 : vector<16xf32>
      %parallel_loop3A_54 = vector.broadcast %parallel_loop3A_14 : f32 to vector<16xf32>
      %parallel_loop3A_55 = arith.subf %parallel_loop3A_53, %parallel_loop3A_54 : vector<16xf32>
      %parallel_loop3A_56 = vector.broadcast %parallel_loop3A_15 : f32 to vector<16xf32>
      %parallel_loop3A_57 = arith.addf %parallel_loop3A_55, %parallel_loop3A_56 : vector<16xf32>
      %parallel_loop3A_58 = vector.broadcast %parallel_loop3A_15 : f32 to vector<16xf32>
      %parallel_loop3A_59 = arith.divf %parallel_loop3A_57, %parallel_loop3A_58 : vector<16xf32>
      %parallel_loop3A_60 = arith.fptosi %parallel_loop3A_59 : vector<16xf32> to vector<16xi32>
      %parallel_loop3A_61 = arith.constant 0 : i32
      %parallel_loop3A_62 = vector.broadcast %parallel_loop3A_61 : i32 to vector<16xi32>
      %parallel_loop3A_63 = arith.maxsi %parallel_loop3A_60, %parallel_loop3A_62 : vector<16xi32>
      %parallel_loop3A_64 = arith.constant 500 : i32
      %parallel_loop3A_65 = vector.broadcast %parallel_loop3A_64 : i32 to vector<16xi32>
      %parallel_loop3A_66 = arith.minsi %parallel_loop3A_63, %parallel_loop3A_65 : vector<16xi32>
      %parallel_loop3A_67 = vector.broadcast %parallel_loop3A_14 : f32 to vector<16xf32>
      %parallel_loop3A_68 = arith.subf %parallel_loop3A_53, %parallel_loop3A_67 : vector<16xf32>
      %parallel_loop3A_69 = vector.broadcast %parallel_loop3A_15 : f32 to vector<16xf32>
      %parallel_loop3A_70 = arith.addf %parallel_loop3A_68, %parallel_loop3A_69 : vector<16xf32>
      %parallel_loop3A_71 = arith.sitofp %parallel_loop3A_66 : vector<16xi32> to vector<16xf32>
      %parallel_loop3A_72 = vector.broadcast %parallel_loop3A_15 : f32 to vector<16xf32>
      %parallel_loop3A_73 = arith.mulf %parallel_loop3A_71, %parallel_loop3A_72 : vector<16xf32>
      %parallel_loop3A_74 = arith.subf %parallel_loop3A_70, %parallel_loop3A_73 : vector<16xf32>
      %parallel_loop3A_75 = tpu.vector_load_idx %arg7[%broadcast_in_dim3A_9, %parallel_loop3A_66] : memref<8x512xf32, #tpu.memory_space<vmem>>[vector<16xi32>, vector<16xi32>], vector<16xf32>,
      %parallel_loop3A_76 = tpu.vector_load_idx %arg8[%broadcast_in_dim3A_9, %parallel_loop3A_66] : memref<8x512xf32, #tpu.memory_space<vmem>>[vector<16xi32>, vector<16xi32>], vector<16xf32>,
      %parallel_loop3A_77 = arith.mulf %parallel_loop3A_74, %parallel_loop3A_76 : vector<16xf32>
      %parallel_loop3A_78 = arith.addf %parallel_loop3A_75, %parallel_loop3A_77 : vector<16xf32>
      %parallel_loop3A_79 = arith.constant 0.000000e+00 : f32
      %parallel_loop3A_80 = vector.broadcast %parallel_loop3A_79 : f32 to vector<16xf32>
      %parallel_loop3A_81 = arith.subf %parallel_loop3A_80, %parallel_loop3A_78 : vector<16xf32>
      %parallel_loop3A_82 = math.exp %parallel_loop3A_81 : vector<16xf32>
      %parallel_loop3A_83 = arith.constant 1.000000e+00 : f32
      %parallel_loop3A_84 = vector.broadcast %parallel_loop3A_83 : f32 to vector<16xf32>
      %parallel_loop3A_85 = arith.addf %parallel_loop3A_84, %parallel_loop3A_82 : vector<16xf32>
      %parallel_loop3A_86 = arith.constant 1.000000e+00 : f32
      %parallel_loop3A_87 = vector.broadcast %parallel_loop3A_86 : f32 to vector<16xf32>
      %parallel_loop3A_88 = arith.divf %parallel_loop3A_87, %parallel_loop3A_85 : vector<16xf32>
      %parallel_loop3A_89 = arith.constant 0 : i32
      %parallel_loop3A_90 = arith.index_cast %parallel_loop3A_89 : i32 to index
      %parallel_loop3A_91 = arith.index_cast %parallel_loop3A_45 : i32 to index
      %parallel_loop3A_92 = tpu.vector_load %arg9[%parallel_loop3A_90, %parallel_loop3A_91] {strides = array<i32>} : memref<4x512xf32, #tpu.memory_space<vmem>>, vector<16xf32>,
      tpu.vector_store %arg9[%parallel_loop3A_90, %parallel_loop3A_91], %parallel_loop3A_88 {strides = array<i32>} : memref<4x512xf32, #tpu.memory_space<vmem>>, vector<16xf32>,
    } {sc.loop_unroll_factor = 16 : i64, sc.parallel_access}
    %broadcast_in_dim3A_16 = arith.constant 1 : i32
    %broadcast_in_dim3A_17 = vector.broadcast %broadcast_in_dim3A_16 : i32 to vector<16xi32>
    %parallel_loop3A_18 = arith.constant 0 : i32
    %parallel_loop3A_19 = arith.constant 32 : i32
    %parallel_loop3A_20 = arith.constant 1 : i32
    %parallel_loop3A_21 = arith.constant -1.700000e+01 : f32
    %parallel_loop3A_22 = arith.constant 8.000000e+00 : f32
    %parallel_loop3A_23 = arith.constant -1.700000e+01 : f32
    %parallel_loop3A_24 = arith.constant 5.000000e-02 : f32
    scf.for %parallel_loop3A_43 = %parallel_loop3A_18 to %parallel_loop3A_19 step %parallel_loop3A_20  : i32 {
      %parallel_loop3A_44 = arith.constant 16 : i32
      %parallel_loop3A_45 = arith.muli %parallel_loop3A_43, %parallel_loop3A_44 : i32
      %parallel_loop3A_46 = arith.constant 1 : i32
      %parallel_loop3A_47 = arith.index_cast %parallel_loop3A_46 : i32 to index
      %parallel_loop3A_48 = arith.index_cast %parallel_loop3A_45 : i32 to index
      %parallel_loop3A_49 = tpu.vector_load %arg6[%parallel_loop3A_47, %parallel_loop3A_48] {strides = array<i32>} : memref<4x512xf32, #tpu.memory_space<vmem>>, vector<16xf32>,
      %parallel_loop3A_50 = vector.broadcast %parallel_loop3A_21 : f32 to vector<16xf32>
      %parallel_loop3A_51 = arith.maximumf %parallel_loop3A_49, %parallel_loop3A_50 : vector<16xf32>
      %parallel_loop3A_52 = vector.broadcast %parallel_loop3A_22 : f32 to vector<16xf32>
      %parallel_loop3A_53 = arith.minimumf %parallel_loop3A_51, %parallel_loop3A_52 : vector<16xf32>
      %parallel_loop3A_54 = vector.broadcast %parallel_loop3A_23 : f32 to vector<16xf32>
      %parallel_loop3A_55 = arith.subf %parallel_loop3A_53, %parallel_loop3A_54 : vector<16xf32>
      %parallel_loop3A_56 = vector.broadcast %parallel_loop3A_24 : f32 to vector<16xf32>
      %parallel_loop3A_57 = arith.addf %parallel_loop3A_55, %parallel_loop3A_56 : vector<16xf32>
      %parallel_loop3A_58 = vector.broadcast %parallel_loop3A_24 : f32 to vector<16xf32>
      %parallel_loop3A_59 = arith.divf %parallel_loop3A_57, %parallel_loop3A_58 : vector<16xf32>
      %parallel_loop3A_60 = arith.fptosi %parallel_loop3A_59 : vector<16xf32> to vector<16xi32>
      %parallel_loop3A_61 = arith.constant 0 : i32
      %parallel_loop3A_62 = vector.broadcast %parallel_loop3A_61 : i32 to vector<16xi32>
      %parallel_loop3A_63 = arith.maxsi %parallel_loop3A_60, %parallel_loop3A_62 : vector<16xi32>
      %parallel_loop3A_64 = arith.constant 500 : i32
      %parallel_loop3A_65 = vector.broadcast %parallel_loop3A_64 : i32 to vector<16xi32>
      %parallel_loop3A_66 = arith.minsi %parallel_loop3A_63, %parallel_loop3A_65 : vector<16xi32>
      %parallel_loop3A_67 = vector.broadcast %parallel_loop3A_23 : f32 to vector<16xf32>
      %parallel_loop3A_68 = arith.subf %parallel_loop3A_53, %parallel_loop3A_67 : vector<16xf32>
      %parallel_loop3A_69 = vector.broadcast %parallel_loop3A_24 : f32 to vector<16xf32>
      %parallel_loop3A_70 = arith.addf %parallel_loop3A_68, %parallel_loop3A_69 : vector<16xf32>
      %parallel_loop3A_71 = arith.sitofp %parallel_loop3A_66 : vector<16xi32> to vector<16xf32>
      %parallel_loop3A_72 = vector.broadcast %parallel_loop3A_24 : f32 to vector<16xf32>
      %parallel_loop3A_73 = arith.mulf %parallel_loop3A_71, %parallel_loop3A_72 : vector<16xf32>
      %parallel_loop3A_74 = arith.subf %parallel_loop3A_70, %parallel_loop3A_73 : vector<16xf32>
      %parallel_loop3A_75 = tpu.vector_load_idx %arg7[%broadcast_in_dim3A_17, %parallel_loop3A_66] : memref<8x512xf32, #tpu.memory_space<vmem>>[vector<16xi32>, vector<16xi32>], vector<16xf32>,
      %parallel_loop3A_76 = tpu.vector_load_idx %arg8[%broadcast_in_dim3A_17, %parallel_loop3A_66] : memref<8x512xf32, #tpu.memory_space<vmem>>[vector<16xi32>, vector<16xi32>], vector<16xf32>,
      %parallel_loop3A_77 = arith.mulf %parallel_loop3A_74, %parallel_loop3A_76 : vector<16xf32>
      %parallel_loop3A_78 = arith.addf %parallel_loop3A_75, %parallel_loop3A_77 : vector<16xf32>
      %parallel_loop3A_79 = arith.constant 0.000000e+00 : f32
      %parallel_loop3A_80 = vector.broadcast %parallel_loop3A_79 : f32 to vector<16xf32>
      %parallel_loop3A_81 = arith.subf %parallel_loop3A_80, %parallel_loop3A_78 : vector<16xf32>
      %parallel_loop3A_82 = math.exp %parallel_loop3A_81 : vector<16xf32>
      %parallel_loop3A_83 = arith.constant 1.000000e+00 : f32
      %parallel_loop3A_84 = vector.broadcast %parallel_loop3A_83 : f32 to vector<16xf32>
      %parallel_loop3A_85 = arith.addf %parallel_loop3A_84, %parallel_loop3A_82 : vector<16xf32>
      %parallel_loop3A_86 = arith.constant 1.000000e+00 : f32
      %parallel_loop3A_87 = vector.broadcast %parallel_loop3A_86 : f32 to vector<16xf32>
      %parallel_loop3A_88 = arith.divf %parallel_loop3A_87, %parallel_loop3A_85 : vector<16xf32>
      %parallel_loop3A_89 = arith.constant 1 : i32
      %parallel_loop3A_90 = arith.index_cast %parallel_loop3A_89 : i32 to index
      %parallel_loop3A_91 = arith.index_cast %parallel_loop3A_45 : i32 to index
      %parallel_loop3A_92 = tpu.vector_load %arg9[%parallel_loop3A_90, %parallel_loop3A_91] {strides = array<i32>} : memref<4x512xf32, #tpu.memory_space<vmem>>, vector<16xf32>,
      tpu.vector_store %arg9[%parallel_loop3A_90, %parallel_loop3A_91], %parallel_loop3A_88 {strides = array<i32>} : memref<4x512xf32, #tpu.memory_space<vmem>>, vector<16xf32>,
    } {sc.loop_unroll_factor = 16 : i64, sc.parallel_access}
    %broadcast_in_dim3A_25 = arith.constant 2 : i32
    %broadcast_in_dim3A_26 = vector.broadcast %broadcast_in_dim3A_25 : i32 to vector<16xi32>
    %parallel_loop3A_27 = arith.constant 0 : i32
    %parallel_loop3A_28 = arith.constant 32 : i32
    %parallel_loop3A_29 = arith.constant 1 : i32
    %parallel_loop3A_30 = arith.constant -1.700000e+01 : f32
    %parallel_loop3A_31 = arith.constant 8.000000e+00 : f32
    %parallel_loop3A_32 = arith.constant -1.700000e+01 : f32
    %parallel_loop3A_33 = arith.constant 5.000000e-02 : f32
    scf.for %parallel_loop3A_43 = %parallel_loop3A_27 to %parallel_loop3A_28 step %parallel_loop3A_29  : i32 {
      %parallel_loop3A_44 = arith.constant 16 : i32
      %parallel_loop3A_45 = arith.muli %parallel_loop3A_43, %parallel_loop3A_44 : i32
      %parallel_loop3A_46 = arith.constant 2 : i32
      %parallel_loop3A_47 = arith.index_cast %parallel_loop3A_46 : i32 to index
      %parallel_loop3A_48 = arith.index_cast %parallel_loop3A_45 : i32 to index
      %parallel_loop3A_49 = tpu.vector_load %arg6[%parallel_loop3A_47, %parallel_loop3A_48] {strides = array<i32>} : memref<4x512xf32, #tpu.memory_space<vmem>>, vector<16xf32>,
      %parallel_loop3A_50 = vector.broadcast %parallel_loop3A_30 : f32 to vector<16xf32>
      %parallel_loop3A_51 = arith.maximumf %parallel_loop3A_49, %parallel_loop3A_50 : vector<16xf32>
      %parallel_loop3A_52 = vector.broadcast %parallel_loop3A_31 : f32 to vector<16xf32>
      %parallel_loop3A_53 = arith.minimumf %parallel_loop3A_51, %parallel_loop3A_52 : vector<16xf32>
      %parallel_loop3A_54 = vector.broadcast %parallel_loop3A_32 : f32 to vector<16xf32>
      %parallel_loop3A_55 = arith.subf %parallel_loop3A_53, %parallel_loop3A_54 : vector<16xf32>
      %parallel_loop3A_56 = vector.broadcast %parallel_loop3A_33 : f32 to vector<16xf32>
      %parallel_loop3A_57 = arith.addf %parallel_loop3A_55, %parallel_loop3A_56 : vector<16xf32>
      %parallel_loop3A_58 = vector.broadcast %parallel_loop3A_33 : f32 to vector<16xf32>
      %parallel_loop3A_59 = arith.divf %parallel_loop3A_57, %parallel_loop3A_58 : vector<16xf32>
      %parallel_loop3A_60 = arith.fptosi %parallel_loop3A_59 : vector<16xf32> to vector<16xi32>
      %parallel_loop3A_61 = arith.constant 0 : i32
      %parallel_loop3A_62 = vector.broadcast %parallel_loop3A_61 : i32 to vector<16xi32>
      %parallel_loop3A_63 = arith.maxsi %parallel_loop3A_60, %parallel_loop3A_62 : vector<16xi32>
      %parallel_loop3A_64 = arith.constant 500 : i32
      %parallel_loop3A_65 = vector.broadcast %parallel_loop3A_64 : i32 to vector<16xi32>
      %parallel_loop3A_66 = arith.minsi %parallel_loop3A_63, %parallel_loop3A_65 : vector<16xi32>
      %parallel_loop3A_67 = vector.broadcast %parallel_loop3A_32 : f32 to vector<16xf32>
      %parallel_loop3A_68 = arith.subf %parallel_loop3A_53, %parallel_loop3A_67 : vector<16xf32>
      %parallel_loop3A_69 = vector.broadcast %parallel_loop3A_33 : f32 to vector<16xf32>
      %parallel_loop3A_70 = arith.addf %parallel_loop3A_68, %parallel_loop3A_69 : vector<16xf32>
      %parallel_loop3A_71 = arith.sitofp %parallel_loop3A_66 : vector<16xi32> to vector<16xf32>
      %parallel_loop3A_72 = vector.broadcast %parallel_loop3A_33 : f32 to vector<16xf32>
      %parallel_loop3A_73 = arith.mulf %parallel_loop3A_71, %parallel_loop3A_72 : vector<16xf32>
      %parallel_loop3A_74 = arith.subf %parallel_loop3A_70, %parallel_loop3A_73 : vector<16xf32>
      %parallel_loop3A_75 = tpu.vector_load_idx %arg7[%broadcast_in_dim3A_26, %parallel_loop3A_66] : memref<8x512xf32, #tpu.memory_space<vmem>>[vector<16xi32>, vector<16xi32>], vector<16xf32>,
      %parallel_loop3A_76 = tpu.vector_load_idx %arg8[%broadcast_in_dim3A_26, %parallel_loop3A_66] : memref<8x512xf32, #tpu.memory_space<vmem>>[vector<16xi32>, vector<16xi32>], vector<16xf32>,
      %parallel_loop3A_77 = arith.mulf %parallel_loop3A_74, %parallel_loop3A_76 : vector<16xf32>
      %parallel_loop3A_78 = arith.addf %parallel_loop3A_75, %parallel_loop3A_77 : vector<16xf32>
      %parallel_loop3A_79 = arith.constant 0.000000e+00 : f32
      %parallel_loop3A_80 = vector.broadcast %parallel_loop3A_79 : f32 to vector<16xf32>
      %parallel_loop3A_81 = arith.subf %parallel_loop3A_80, %parallel_loop3A_78 : vector<16xf32>
      %parallel_loop3A_82 = math.exp %parallel_loop3A_81 : vector<16xf32>
      %parallel_loop3A_83 = arith.constant 1.000000e+00 : f32
      %parallel_loop3A_84 = vector.broadcast %parallel_loop3A_83 : f32 to vector<16xf32>
      %parallel_loop3A_85 = arith.addf %parallel_loop3A_84, %parallel_loop3A_82 : vector<16xf32>
      %parallel_loop3A_86 = arith.constant 1.000000e+00 : f32
      %parallel_loop3A_87 = vector.broadcast %parallel_loop3A_86 : f32 to vector<16xf32>
      %parallel_loop3A_88 = arith.divf %parallel_loop3A_87, %parallel_loop3A_85 : vector<16xf32>
      %parallel_loop3A_89 = arith.constant 2 : i32
      %parallel_loop3A_90 = arith.index_cast %parallel_loop3A_89 : i32 to index
      %parallel_loop3A_91 = arith.index_cast %parallel_loop3A_45 : i32 to index
      %parallel_loop3A_92 = tpu.vector_load %arg9[%parallel_loop3A_90, %parallel_loop3A_91] {strides = array<i32>} : memref<4x512xf32, #tpu.memory_space<vmem>>, vector<16xf32>,
      tpu.vector_store %arg9[%parallel_loop3A_90, %parallel_loop3A_91], %parallel_loop3A_88 {strides = array<i32>} : memref<4x512xf32, #tpu.memory_space<vmem>>, vector<16xf32>,
    } {sc.loop_unroll_factor = 16 : i64, sc.parallel_access}
    %broadcast_in_dim3A_34 = arith.constant 3 : i32
    %broadcast_in_dim3A_35 = vector.broadcast %broadcast_in_dim3A_34 : i32 to vector<16xi32>
    %parallel_loop3A_36 = arith.constant 0 : i32
    %parallel_loop3A_37 = arith.constant 32 : i32
    %parallel_loop3A_38 = arith.constant 1 : i32
    %parallel_loop3A_39 = arith.constant -1.700000e+01 : f32
    %parallel_loop3A_40 = arith.constant 8.000000e+00 : f32
    %parallel_loop3A_41 = arith.constant -1.700000e+01 : f32
    %parallel_loop3A_42 = arith.constant 5.000000e-02 : f32
    scf.for %parallel_loop3A_43 = %parallel_loop3A_36 to %parallel_loop3A_37 step %parallel_loop3A_38  : i32 {
      %parallel_loop3A_44 = arith.constant 16 : i32
      %parallel_loop3A_45 = arith.muli %parallel_loop3A_43, %parallel_loop3A_44 : i32
      %parallel_loop3A_46 = arith.constant 3 : i32
      %parallel_loop3A_47 = arith.index_cast %parallel_loop3A_46 : i32 to index
      %parallel_loop3A_48 = arith.index_cast %parallel_loop3A_45 : i32 to index
      %parallel_loop3A_49 = tpu.vector_load %arg6[%parallel_loop3A_47, %parallel_loop3A_48] {strides = array<i32>} : memref<4x512xf32, #tpu.memory_space<vmem>>, vector<16xf32>,
      %parallel_loop3A_50 = vector.broadcast %parallel_loop3A_39 : f32 to vector<16xf32>
      %parallel_loop3A_51 = arith.maximumf %parallel_loop3A_49, %parallel_loop3A_50 : vector<16xf32>
      %parallel_loop3A_52 = vector.broadcast %parallel_loop3A_40 : f32 to vector<16xf32>
      %parallel_loop3A_53 = arith.minimumf %parallel_loop3A_51, %parallel_loop3A_52 : vector<16xf32>
      %parallel_loop3A_54 = vector.broadcast %parallel_loop3A_41 : f32 to vector<16xf32>
      %parallel_loop3A_55 = arith.subf %parallel_loop3A_53, %parallel_loop3A_54 : vector<16xf32>
      %parallel_loop3A_56 = vector.broadcast %parallel_loop3A_42 : f32 to vector<16xf32>
      %parallel_loop3A_57 = arith.addf %parallel_loop3A_55, %parallel_loop3A_56 : vector<16xf32>
      %parallel_loop3A_58 = vector.broadcast %parallel_loop3A_42 : f32 to vector<16xf32>
      %parallel_loop3A_59 = arith.divf %parallel_loop3A_57, %parallel_loop3A_58 : vector<16xf32>
      %parallel_loop3A_60 = arith.fptosi %parallel_loop3A_59 : vector<16xf32> to vector<16xi32>
      %parallel_loop3A_61 = arith.constant 0 : i32
      %parallel_loop3A_62 = vector.broadcast %parallel_loop3A_61 : i32 to vector<16xi32>
      %parallel_loop3A_63 = arith.maxsi %parallel_loop3A_60, %parallel_loop3A_62 : vector<16xi32>
      %parallel_loop3A_64 = arith.constant 500 : i32
      %parallel_loop3A_65 = vector.broadcast %parallel_loop3A_64 : i32 to vector<16xi32>
      %parallel_loop3A_66 = arith.minsi %parallel_loop3A_63, %parallel_loop3A_65 : vector<16xi32>
      %parallel_loop3A_67 = vector.broadcast %parallel_loop3A_41 : f32 to vector<16xf32>
      %parallel_loop3A_68 = arith.subf %parallel_loop3A_53, %parallel_loop3A_67 : vector<16xf32>
      %parallel_loop3A_69 = vector.broadcast %parallel_loop3A_42 : f32 to vector<16xf32>
      %parallel_loop3A_70 = arith.addf %parallel_loop3A_68, %parallel_loop3A_69 : vector<16xf32>
      %parallel_loop3A_71 = arith.sitofp %parallel_loop3A_66 : vector<16xi32> to vector<16xf32>
      %parallel_loop3A_72 = vector.broadcast %parallel_loop3A_42 : f32 to vector<16xf32>
      %parallel_loop3A_73 = arith.mulf %parallel_loop3A_71, %parallel_loop3A_72 : vector<16xf32>
      %parallel_loop3A_74 = arith.subf %parallel_loop3A_70, %parallel_loop3A_73 : vector<16xf32>
      %parallel_loop3A_75 = tpu.vector_load_idx %arg7[%broadcast_in_dim3A_35, %parallel_loop3A_66] : memref<8x512xf32, #tpu.memory_space<vmem>>[vector<16xi32>, vector<16xi32>], vector<16xf32>,
      %parallel_loop3A_76 = tpu.vector_load_idx %arg8[%broadcast_in_dim3A_35, %parallel_loop3A_66] : memref<8x512xf32, #tpu.memory_space<vmem>>[vector<16xi32>, vector<16xi32>], vector<16xf32>,
      %parallel_loop3A_77 = arith.mulf %parallel_loop3A_74, %parallel_loop3A_76 : vector<16xf32>
      %parallel_loop3A_78 = arith.addf %parallel_loop3A_75, %parallel_loop3A_77 : vector<16xf32>
      %parallel_loop3A_79 = arith.constant 0.000000e+00 : f32
      %parallel_loop3A_80 = vector.broadcast %parallel_loop3A_79 : f32 to vector<16xf32>
      %parallel_loop3A_81 = arith.subf %parallel_loop3A_80, %parallel_loop3A_78 : vector<16xf32>
      %parallel_loop3A_82 = math.exp %parallel_loop3A_81 : vector<16xf32>
      %parallel_loop3A_83 = arith.constant 1.000000e+00 : f32
      %parallel_loop3A_84 = vector.broadcast %parallel_loop3A_83 : f32 to vector<16xf32>
      %parallel_loop3A_85 = arith.addf %parallel_loop3A_84, %parallel_loop3A_82 : vector<16xf32>
      %parallel_loop3A_86 = arith.constant 1.000000e+00 : f32
      %parallel_loop3A_87 = vector.broadcast %parallel_loop3A_86 : f32 to vector<16xf32>
      %parallel_loop3A_88 = arith.divf %parallel_loop3A_87, %parallel_loop3A_85 : vector<16xf32>
      %parallel_loop3A_89 = arith.constant 3 : i32
      %parallel_loop3A_90 = arith.index_cast %parallel_loop3A_89 : i32 to index
      %parallel_loop3A_91 = arith.index_cast %parallel_loop3A_45 : i32 to index
      %parallel_loop3A_92 = tpu.vector_load %arg9[%parallel_loop3A_90, %parallel_loop3A_91] {strides = array<i32>} : memref<4x512xf32, #tpu.memory_space<vmem>>, vector<16xf32>,
      tpu.vector_store %arg9[%parallel_loop3A_90, %parallel_loop3A_91], %parallel_loop3A_88 {strides = array<i32>} : memref<4x512xf32, #tpu.memory_space<vmem>>, vector<16xf32>,
    } {sc.loop_unroll_factor = 16 : i64, sc.parallel_access}
    "tpu.region"() ({
      %run_scoped3A = tpu.sem_alloc : memref<!tpu.dma_semaphore, #tpu.memory_space<semaphore_mem>>
      %dma_start3A_43 = arith.constant 0 : i32
      %dma_start3A_44 = tpu.memref_slice %arg5[%dma_start3A_43, %mul3A_2] : memref<4x16384xf32, #tpu.memory_space<hbm>> -> memref<4x512xf32, #tpu.memory_space<hbm>>
      %dma_start3A_45 = arith.constant 0 : i32
      %dma_start3A_46 = tpu.memref_slice %arg5[%dma_start3A_45, %mul3A_2] : memref<4x16384xf32, #tpu.memory_space<hbm>> -> memref<4x512xf32, #tpu.memory_space<hbm>>
      tpu.enqueue_dma source(%arg9 : memref<4x512xf32, #tpu.memory_space<vmem>>) target(%dma_start3A_46 : memref<4x512xf32, #tpu.memory_space<hbm>>) target_semaphore(%run_scoped3A : memref<!tpu.dma_semaphore, #tpu.memory_space<semaphore_mem>>)
      %dma_wait3A_47 = arith.constant 0 : i32
      %dma_wait3A_48 = tpu.memref_slice %arg5[%dma_wait3A_47, %mul3A_2] : memref<4x16384xf32, #tpu.memory_space<hbm>> -> memref<4x512xf32, #tpu.memory_space<hbm>>
      %dma_wait3A_49 = arith.constant 0 : i32
      %dma_wait3A_50 = tpu.memref_slice %arg5[%dma_wait3A_49, %mul3A_2] : memref<4x16384xf32, #tpu.memory_space<hbm>> -> memref<4x512xf32, #tpu.memory_space<hbm>>
      tpu.wait_dma2 semaphore(%run_scoped3A : memref<!tpu.dma_semaphore, #tpu.memory_space<semaphore_mem>>) src(%arg9 : memref<4x512xf32, #tpu.memory_space<vmem>>) dst(%dma_wait3A_50 : memref<4x512xf32, #tpu.memory_space<hbm>>)
      tpu.yield
    }) : () -> ()
    return
  }
}

</mosaic_0001>

<sc_bundles>
// kernel: _sc_main.3.cloned.1.call-start
scs
__scs_entry_jumppad:
0x0: {  	(pc) =	sbr.rel $0x88, $3  }
0x1: {  	(tag) =	ssettag $0x0;
	lr =	simm.s32 $0x1  }
0x2: {  	[smem:$0x3F9E] =	sst lr;
	_ =	strace $0xD0000000  }
0x3: {  	_ = 	snop  }
0x4: {  	_ = 	snop  }
0x5: {  	_ = 	snop  }
0x6: {  	_ = 	snop  }
0x7: {  	_ = 	snop  }
__scs_overlays_trampoline_lowered:
0x8: {  	[smem:$0x3FAD] =	sst s0  }
0x9: {  	[smem:$0x3FAE] =	sst s1  }
0xa: {  	[smem:$0x3FAF] =	sst s2  }
0xb: {  	[smem:$0x3FB0] =	sst s3  }
0xc: {  	[smem:$0x3FB1] =	sst s4  }
0xd: {  	[smem:$0x3FB2] =	sst s5  }
0xe: {  	[smem:$0x3FB3] =	sst s6  }
0xf: {  	[smem:$0x3FB4] =	sst s7  }
0x10: {  	[smem:$0x3FB5] =	sst s8  }
0x11: {  	[smem:$0x3FB6] =	sst s9;
	s0 =	simm.s32 @!p0 $0x0  }
0x12: {  	s1 =	sld [smem:$0x3F9C];
	s0 =	simm.s32 @p0 $0x1  }
0x13: {  	[smem:$0x3FB7] =	sst s0;
	s0 =	simm.s32 @!p1 $0x0  }
0x14: {  	s2 =	sld [smem:$0x3F9B];
	s0 =	simm.s32 @p1 $0x1  }
0x15: {  	[smem:$0x3FB8] =	sst s0;
	s0 =	simm.s32 @!p2 $0x0  }
0x16: {  	s3 =	sld [smem:$0x3FDB];
	s0 =	simm.s32 @p2 $0x1  }
0x17: {  	s4 =	simm.s32 $0x1BF5;
	[smem:$0x3FBA] =	sst s0  }
0x18: {  	s0 =	sld [smem:$0x3F9D];
	_ =	swait.ge [sflag:s4], $0x0  }
0x19: {  	s7 =	sld [smem:$0x3F9E]  }
0x1a: {  	s8 =	sadd.s32 $0xFFFFE003, lr  }
0x1b: {  	s9 =	sadd.s32 $0xFFFFFEF7, lr;
	s5 =	simm.s32 $0xFFFFFFFF;
	p2 =	slt.u32 s8, $0xFFFFF086  }
0x1c: {  	p1 =	slt.u32 s9, $0xF7A;
	s5 =	simm.s32 @!p2 $0x0  }
0x1d: {  	s5 =	simm.s32 @p1 $0x1;
	p0 =	seq.s32 s7, s2  }
0x1e: {  	s7 =	smul.u32 @!p0 $0xF7A, s2;
	p2 =	seq.s32 @!p0 s5, $0x0  }
0x1f: {  	s9 =	smul.u32 $0xF7A, s1;
	s8 =	simm.s32 @!p0 $0x1BF5;
	p2 =	por !p2, p0  }
0x20: {  	[sflag:s8] =	ssyncset.s32 @!p0 $0xFFFFF086;
	s6 =	sadd.s32 @!p0 s3, s7;
	s7 =	simm.s32 @!p0 $0x108  }
0x21: {  	s3 =	sadd.s32 s3, s9;
	s6 =	sadd.s32 @!p0 $0x88, s6;
	s7 =	simm.s32 @p2 $0x1082  }
0x22: {  	[simem:s7], [sflag:s8] =	dma.local @!p0 [hbm:s6], $0xF7A  }
0x23: {  	s9 =	sor.u32 $0xD0000000, s2;
	s6 =	simm.s32 $0x108;
	_ =	swait.ge @!p0 [sflag:s8], $0x0  }
0x24: {  	s3 =	sadd.s32 $0x88, s3;
	s6 =	simm.s32 @!p1 $0x1082;
	[sflag:s4] =	ssyncset.s32 $0xFFFFF086  }
0x25: {  	[simem:s6], [sflag:s4] =	dma.local [hbm:s3], $0xF7A  }
0x26: {  	[smem:$0x3F9E] =	sst s1;
	(tag) =	ssettag s2;
	_ =	strace s9  }
0x27: {  	s1 =	sld [smem:$0x3FAE]  }
0x28: {  	s2 =	sld [smem:$0x3FAF]  }
0x29: {  	s4 =	sld [smem:$0x3FB1]  }
0x2a: {  	p0 =	seq.s32 s5, $0x0;
	s5 =	sld [smem:$0x3FB2]  }
0x2b: {  	s6 =	sld [smem:$0x3FB3]  }
0x2c: {  	s7 =	sld [smem:$0x3FB4]  }
0x2d: {  	s3 =	simm.s32 $0x108;
	s8 =	sld [smem:$0x3FB5]  }
0x2e: {  	s3 =	simm.s32 @!p0 $0x1082;
	s9 =	sld [smem:$0x3FB6]  }
0x2f: {  	lr =	sadd.s32 s0, s3;
	s0 =	sld [smem:$0x3FAD]  }
0x30: {  	s3 =	sld [smem:$0x3FB0]  }
0x31: {  	[smem:$0x3FB9] =	sst s10  }
0x32: {  	s10 =	sld [smem:$0x3FB7];
	_ =	sdelay $0x3  }
0x33: {  	p0 =	seq.s32 s10, $0x1;
	s10 =	sld [smem:$0x3FB9];
	_ =	sdelay $0x3  }
0x34: {  	[smem:$0x3FB9] =	sst s10  }
0x35: {  	s10 =	sld [smem:$0x3FB8];
	_ =	sdelay $0x3  }
0x36: {  	p1 =	seq.s32 s10, $0x1;
	s10 =	sld [smem:$0x3FB9];
	_ =	sdelay $0x3  }
0x37: {  	[smem:$0x3FB9] =	sst s10  }
0x38: {  	s10 =	sld [smem:$0x3FBA]  }
0x39: {  	_ = 	snop;
	(pc) =	sbr.ind lr, $3  }
0x3a: {  	_ = 	snop  }
0x3b: {  	_ = 	snop  }
0x3c: {  	p2 =	seq.s32 s10, $0x1;
	s10 =	sld [smem:$0x3FB9]  }
0x3d: {  	_ =	shalt  }
0x3e: {  	_ =	shalt  }
0x3f: {  	_ =	shalt  }
0x40: {  	_ =	shalt  }
0x41: {  	_ =	shalt  }
0x42: {  	_ =	shalt  }
0x43: {  	_ =	shalt  }
0x44: {  	_ =	shalt  }
0x45: {  	_ =	shalt  }
0x46: {  	_ =	shalt  }
0x47: {  	_ =	shalt  }
0x48: {  	_ =	shalt  }
0x49: {  	_ =	shalt  }
0x4a: {  	_ =	shalt  }
0x4b: {  	_ =	shalt  }
0x4c: {  	_ =	shalt  }
0x4d: {  	_ =	shalt  }
0x4e: {  	_ =	shalt  }
0x4f: {  	_ =	shalt  }
0x50: {  	_ =	shalt  }
0x51: {  	_ =	shalt  }
0x52: {  	_ =	shalt  }
0x53: {  	_ =	shalt  }
0x54: {  	_ =	shalt  }
0x55: {  	_ =	shalt  }
0x56: {  	_ =	shalt  }
0x57: {  	_ =	shalt  }
0x58: {  	_ =	shalt  }
0x59: {  	_ =	shalt  }
0x5a: {  	_ =	shalt  }
0x5b: {  	_ =	shalt  }
0x5c: {  	_ =	shalt  }
0x5d: {  	_ =	shalt  }
0x5e: {  	_ =	shalt  }
0x5f: {  	_ =	shalt  }
0x60: {  	_ =	shalt  }
0x61: {  	_ =	shalt  }
0x62: {  	_ =	shalt  }
0x63: {  	_ =	shalt  }
0x64: {  	_ =	shalt  }
0x65: {  	_ =	shalt  }
0x66: {  	_ =	shalt  }
0x67: {  	_ =	shalt  }
0x68: {  	_ =	shalt  }
0x69: {  	_ =	shalt  }
0x6a: {  	_ =	shalt  }
0x6b: {  	_ =	shalt  }
0x6c: {  	_ =	shalt  }
0x6d: {  	_ =	shalt  }
0x6e: {  	_ =	shalt  }
0x6f: {  	_ =	shalt  }
0x70: {  	_ =	shalt  }
0x71: {  	_ =	shalt  }
0x72: {  	_ =	shalt  }
0x73: {  	_ =	shalt  }
0x74: {  	_ =	shalt  }
0x75: {  	_ =	shalt  }
0x76: {  	_ =	shalt  }
0x77: {  	_ =	shalt  }
0x78: {  	_ =	shalt  }
0x79: {  	_ =	shalt  }
0x7a: {  	_ =	shalt  }
0x7b: {  	_ =	shalt  }
0x7c: {  	_ =	shalt  }
0x7d: {  	_ =	shalt  }
0x7e: {  	_ =	shalt  }
0x7f: {  	_ =	shalt  }
0x80: {  	_ =	shalt  }
0x81: {  	_ =	shalt  }
0x82: {  	_ =	shalt  }
0x83: {  	_ =	shalt  }
0x84: {  	_ =	shalt  }
0x85: {  	_ =	shalt  }
0x86: {  	_ =	shalt  }
0x87: {  	_ =	shalt  }
.Lfunc_end0:
.L_simem_size_0:
called_computation_lowered:
.L_overlay_start_0:
0x88: {  	s2 =	sld [smem:$0x3FD9]  }
0x89: {  	s3 =	sld [smem:$0x3FFE];
	_ =	sdelay $0x1  }
0x8a: {  	s1 =	srdreg.scid  }
0x8b: {  	s0 =	sand.u32 $0x1, s1  }
0x8c: {  	s18 =	sshll.u32 s0, $0xA;
	s2 =	sadd.s32 s3, s2  }
0x8d: {  	s2 =	sadd.s32 s2, s18  }
0x8e: {  	[smem:$0x3FC5] =	sst s2  }
0x8f: {  	_ = 	snop  }
0x90: {  	s2 =	sld [smem:$0x3FC9]  }
0x91: {  	s19 =	sld [smem:$0x3FC8]  }
0x92: {  	s4 =	sld [smem:$0x3FC7]  }
0x93: {  	s5 =	sld [smem:$0x3FD0];
	(tm) =	ssettm $0x1  }
0x94: {  	s6 =	sld [smem:$0x3FFB];
	_ =	sdelay $0x3  }
0x95: {  	_ =	strace s6  }
0x96: {  	s6 =	sld [smem:$0x3FFC];
	_ =	sdelay $0x3  }
0x97: {  	_ =	strace s6  }
0x98: {  	s6 =	sld [smem:$0x3FFD];
	_ =	sdelay $0x3  }
0x99: {  	_ =	strace s6  }
0x9a: {  	_ =	strace $0x8FFFFFFF  }
0x9b: {  	s20 =	sld [smem:$0x3FDB];
	_ =	sdelay $0x1  }
0x9c: {  	s7 =	simm.s32 $_scs_section_size  }
0x9d: {  	s8 =	simm.s32 $_size__tile_overlayer_lowered;
	s9 =	simm.s32 $_tile_overlayer_lowered  }
0x9e: {  	s23 =	simm.s32 $0x1BFF;
	s22 =	sshll.u32 s9, $0x1;
	s6 =	sadd.s32 s7, s20  }
0x9f: {  	s10 =	simm.s32 $0x0;
	s21 =	sshll.u32 s8, $0x1;
	s8 =	sadd.s32 s22, s6  }
0xa0: {  	[timem:s10], [sflag:s23] =	dma.local [hbm:s8], s21  }
0xa1: {  	_ =	swait.ge [sflag:s23], s21  }
0xa2: {  	s7 =	ssub.s32 $0x0, s21;
	[sflag:s23] =	ssyncset.done $0x0  }
0xa3: {  	[sflag:s23] =	ssyncadd.s32 s7;
	_ =	sdelay $0x1  }
0xa4: {  	s24 =	simm.s32 $0x1B8B  }
0xa5: {  	_ =	swait.ge [sflag:s24], $0x1  }
0xa6: {  	[sflag:s24] =	ssyncset.done $0x0  }
0xa7: {  	s25 =	simm.s32 $0x1B8E;
	[sflag:s24] =	ssyncadd.s32 $0xFFFFFFFF  }
0xa8: {  	s26 =	simm.s32 $execute0_lowered;
	[smem:$0x3FD2] =	sst s25  }
0xa9: {  	s7 =	sshll.u32 s26, $0x1;
	_ =	strace $0x80000046;
	[dreg:$0x1] =	wrdreg $0xFFFFFFFF  }
0xaa: {  	s28 =	simm.s32 $_size_execute0_lowered;
	s6 =	sadd.s32 s6, s7;
	[dreg:$0x0] =	wrdreg $0x0  }
0xab: {  	s7 =	sshll.u32 s28, $0x1;
	[dreg:$0x2] =	wrdreg s6  }
0xac: {  	[dreg:$0x3] =	wrdreg s7  }
0xad: {  	[dreg:$0x4] =	wrdreg $0xC0  }
0xae: {  	_ =	task [dreg:s10], $0x5FFFF  }
0xaf: {  	[dreg:$0x1] =	wrdreg $0xFFFFFFFF  }
0xb0: {  	[dreg:$0x0] =	wrdreg $0x60  }
0xb1: {  	[dreg:$0x2] =	wrdreg s2  }
0xb2: {  	[dreg:$0x3] =	wrdreg s19  }
0xb3: {  	[dreg:$0x4] =	wrdreg s4  }
0xb4: {  	[dreg:$0x5] =	wrdreg s5  }
0xb5: {  	[dreg:$0x6] =	wrdreg $0x9  }
0xb6: {  	_ =	task.clear_ibuf [dreg:s10], $0x7FFFF;
	_ =	strace $0x90000046  }
0xb7: {  	s29 =	simm.s32 $0x9;
	_ =	strace $0x80000048  }
0xb8: {  	_ =	swait.ge [sflag:s29], $0x1  }
0xb9: {  	[sflag:s29] =	ssyncadd.s32 $0xFFFFFFFF  }
0xba: {  	_ =	strace $0x90000048  }
0xbb: {  	_ =	sfence  }
0xbc: {  	s30 =	sld [smem:$0x0];
	_ =	sdelay $0x2  }
0xbd: {  	s31 =	sshll.u32 s1, $0xD;
	s1 =	sshrl.u32 s1, $0x2  }
0xbe: {  	s3 =	sand.u32 $0x4000, s31;
	s1 =	sadd.s32 s1, s30  }
0xbf: {  	s0 =	sor.u32 s3, s0;
	s1 =	sshll.u32 s1, $0x11  }
0xc0: {  	s0 =	sor.u32 s1, s0  }
0xc1: {  	s0 =	sadd.s32 $0x8F2B, s0  }
0xc2: {  	[sflag:s0] =	ssyncadd.remote.s32 $0x1  }
0xc3: {  	_ =	sfence.sel $0xFFFF  }
0xc4: {  	[dreg:$0x0] =	wrdreg $0xFFFFFFFF;
	(pc) =	sbr.abs _section_cstart, $3  }
0xc5: {  	[dreg:$0x1] =	wrdreg $0xFFFFFFFF  }
0xc6: {  	_ =	task.clear_ibuf [dreg:s10], $0x2FFFF;
	_ =	strace $0x9FFFFFFF  }
0xc7: {  	(tm) =	ssettm $0x7FFFFFFF  }
tec
execute0_lowered:
.L_overlay_start_1:
0x0: {  	(tag) =	ssettag $0x1  }
0x1: {  	s5 =	rddreg [dreg:$0x0]  }
0x2: {  	s1 =	rddreg [dreg:$0x1]  }
0x3: {  	s2 =	rddreg [dreg:$0x2]  }
0x4: {  	s6 =	rddreg [dreg:$0x3];
	s3 =	simm.s32 $0x0  }
0x5: {  	[smem:$0x7FF] =	sst s3  }
0x6: {  	s0 =	rddreg [dreg:$0x4];
	v0 =	vimm.f32 $5.000000070e-02;
	_ =	strace $0x80000047  }
0x7: {  	(erf) = vrcp.f32 v0;
	_ =	sdelay $0x2  }
0x8: {  	s7 =	srdreg.scid;
	s4 =	stileid.u32  }
0x9: {  	s11 =	simm.s32 $0x2;
	s12 =	simm.s32 $0x3;
	s13 =	simm.s32 $0x2800  }
0xa: {  	s14 =	simm.s32 $0x4;
	s15 =	simm.s32 $0x0;
	s7 =	sand.u32 $0x1, s7  }
0xb: {  	s9 =	sshll.u32 s4, $0x9;
	s8 =	ssub.s32 $0x2, s7;
	s7 =	sshll.u32 s7, $0x8  }
0xc: {  	s10 =	sshrl.u32 s8, $0x1;
	s7 =	sor.u32 s7, s9;
	s9 =	simm.s32 $0x1800  }
0xd: {  	s8 =	ssub.s32 s8, s10;
	s5 =	sadd.s32 s5, s7;
	s6 =	sadd.s32 s6, s7  }
0xe: {  	s10 =	simm.s32 $0x1;
	s7 =	smax.u32 s8, $0x1;
	s8 =	simm.s32 $0x800;
	v0 =	vpop (erf)  }
.LBB2_1:
0xf: {  	[tilespmem:s3], [sflag:$0x1] =	stream.linear.gather [hbm4b:s5+s3], $0x800, $0x38;
	[tilespmem:$0x3000] =	vst v63  }
0x10: {  	_ = 	snop  }
0x11: {  	[tilespmem:s8], [sflag:$0x2] =	stream.linear.gather [hbm4b:s1+s3], $0x1000, $0x38;
	[tilespmem:$0x3000] =	vst v63  }
0x12: {  	_ = 	snop  }
0x13: {  	[tilespmem:s9], [sflag:$0x3] =	stream.linear.gather [hbm4b:s2+s3], $0x1000, $0x38;
	[tilespmem:$0x3000] =	vst v63  }
0x14: {  	_ =	swait.ge [sflag:s10], $0x800  }
0x15: {  	[sflag:s10] =	ssyncset.done $0x0  }
0x16: {  	[sflag:s10] =	ssyncadd.s32 $0xFFFFF800  }
0x17: {  	_ =	swait.ge [sflag:s11], $0x1000  }
0x18: {  	[sflag:s11] =	ssyncset.done $0x0  }
0x19: {  	[sflag:s11] =	ssyncadd.s32 $0xFFFFF000  }
0x1a: {  	_ =	swait.ge [sflag:s12], $0x1000  }
0x1b: {  	p1 =	por $0x1, $0x1;
	[sflag:s12] =	ssyncset.done $0x0  }
0x1c: {  	p0 =	por $0x1, $0x1;
	s17 =	simm.s32 $0x0;
	[sflag:s12] =	ssyncadd.s32 $0xFFFFF000  }
.LBB2_2:
0x1d: {  	v1 =	vld [tilespmem:s17+$0x0];
	_ =	sdelay $0x4  }
0x1e: {  	v1 =	vmax.f32 v1, $-1.700000000e+01  }
0x1f: {  	v1 =	vmin.f32 v1, $8.000000000e+00  }
0x20: {  	v1 =	vadd.f32 $1.700000000e+01, v1;
	_ =	sdelay $0x1  }
0x21: {  	v1 =	vadd.f32 $5.000000070e-02, v1;
	_ =	sdelay $0x1  }
0x22: {  	v2 =	vmul.f32 v1, v0  }
0x23: {  	s16 =	sor.u32 $0x10, s17  }
0x24: {  	v3 =	vld [tilespmem:s16+$0x0];
	v2 =	vtrunc.f32 v2  }
0x25: {  	v2 =	vcvt.f32.s32 v2;
	_ =	sdelay $0x1  }
0x26: {  	vm0 =	vgt.s32 v2, $0x0  }
0x27: {  	v2 =	vnsel vm0, $0x0, v2  }
0x28: {  	v3 =	vmax.f32 v3, $-1.700000000e+01;
	v2 =	vmin.u32 v2, $0x1F4  }
0x29: {  	v3 =	vmin.f32 v3, $8.000000000e+00;
	v4 =	vshll.u32 v2, $0x3  }
0x2a: {  	v3 =	vadd.f32 $1.700000000e+01, v3;
	v5 =	vand.u32 $0x7F, v2;
	v4 =	vand.u32 $0xC00, v4  }
0x2b: {  	v4 =	vor.u32 v5, v4  }
0x2c: {  	v3 =	vadd.f32 $5.000000070e-02, v3;
	_ =	sdelay $0x1  }
0x2d: {  	s31 =	sor.u32 $0x20, s17;
	v46 =	vmul.f32 v3, v0  }
0x2e: {  	v7 =	vld [tilespmem:s31+$0x0];
	v2 =	vcvt.s32.f32 v2  }
0x2f: {  	v5 =	vtrunc.f32 v46;
	v6 =	vld.idx.msk [tilespmem:v4+s9+$0x0], $0xffff  }
0x30: {  	v2 =	vmul.f32 $5.000000070e-02, v2;
	v5 =	vcvt.f32.s32 v5  }
0x31: {  	v4 =	vld.idx.msk [tilespmem:v4+s8+$0x0], $0xffff  }
0x32: {  	v1 =	vsub.f32 v1, v2;
	vm13 =	vgt.s32 v5, $0x0  }
0x33: {  	v2 =	vnsel vm13, $0x0, v5  }
0x34: {  	v48 =	vmax.f32 v7, $-1.700000000e+01;
	v2 =	vmin.u32 v2, $0x1F4;
	v1 =	vmul.f32 v1, v6  }
0x35: {  	v5 =	vmin.f32 v48, $8.000000000e+00;
	v47 =	vshll.u32 v2, $0x3  }
0x36: {  	v49 =	vand.u32 $0x7F, v2;
	v1 =	vadd.f32 v1, v4;
	v4 =	vand.u32 $0xC00, v47  }
0x37: {  	v5 =	vadd.f32 $1.700000000e+01, v5;
	v4 =	vor.u32 v49, v4  }
0x38: {  	v1 =	vsub.f32 $0.0e+00, v1  }
0x39: {  	v5 =	vadd.f32 $5.000000070e-02, v5  }
0x3a: {  	v1 =	vmul.f32 $1.442695020e+00, v1  }
0x3b: {  	v2 =	vcvt.s32.f32 v2;
	v50 =	vmul.f32 v5, v0  }
0x3c: {  	s18 =	sor.u32 $0x30, s17;
	(erf) = vpow2.f32 v1;
	v1 =	vld.idx.msk [tilespmem:v4+s9+$0x0], $0xffff  }
0x3d: {  	v51 =	vld [tilespmem:s18+$0x0];
	v2 =	vmul.f32 $5.000000070e-02, v2;
	v6 =	vtrunc.f32 v50  }
0x3e: {  	v6 =	vcvt.f32.s32 v6;
	v4 =	vld.idx.msk [tilespmem:v4+s8+$0x0], $0xffff  }
0x3f: {  	v2 =	vsub.f32 v3, v2  }
0x40: {  	vm14 =	vgt.s32 v6, $0x0  }
0x41: {  	v1 =	vmul.f32 v2, v1;
	v2 =	vnsel vm14, $0x0, v6  }
0x42: {  	v2 =	vmin.u32 v2, $0x1F4  }
0x43: {  	v52 =	vmax.f32 v51, $-1.700000000e+01;
	v1 =	vadd.f32 v1, v4;
	v3 =	vshll.u32 v2, $0x3  }
0x44: {  	v53 =	vand.u32 $0x7F, v2;
	v4 =	vmin.f32 v52, $8.000000000e+00;
	v3 =	vand.u32 $0xC00, v3  }
0x45: {  	v4 =	vadd.f32 $1.700000000e+01, v4;
	v3 =	vor.u32 v53, v3  }
0x46: {  	v54 =	vpop (erf);
	v1 =	vsub.f32 $0.0e+00, v1  }
0x47: {  	v55 =	vadd.f32 $1.000000000e+00, v54;
	v4 =	vadd.f32 $5.000000070e-02, v4  }
0x48: {  	v2 =	vcvt.s32.f32 v2;
	v1 =	vmul.f32 $1.442695020e+00, v1  }
0x49: {  	(erf) = vrcp.f32 v55;
	v56 =	vmul.f32 v4, v0  }
0x4a: {  	s19 =	sor.u32 $0x40, s17;
	(erf) = vpow2.f32 v1;
	v1 =	vld.idx.msk [tilespmem:v3+s9+$0x0], $0xffff  }
0x4b: {  	v57 =	vld [tilespmem:s19+$0x0];
	v2 =	vmul.f32 $5.000000070e-02, v2;
	v6 =	vtrunc.f32 v56  }
0x4c: {  	v6 =	vcvt.f32.s32 v6  }
0x4d: {  	v2 =	vsub.f32 v5, v2;
	v3 =	vld.idx.msk [tilespmem:v3+s8+$0x0], $0xffff  }
0x4e: {  	vm15 =	vgt.s32 v6, $0x0  }
0x4f: {  	v1 =	vmul.f32 v2, v1;
	v2 =	vnsel vm15, $0x0, v6  }
0x50: {  	v59 =	vmax.f32 v57, $-1.700000000e+01;
	v2 =	vmin.u32 v2, $0x1F4  }
0x51: {  	v6 =	vmin.f32 v59, $8.000000000e+00;
	v58 =	vshll.u32 v2, $0x3  }
0x52: {  	v3 =	vadd.f32 v1, v3;
	v60 =	vand.u32 $0x7F, v2;
	v5 =	vand.u32 $0xC00, v58  }
0x53: {  	v6 =	vadd.f32 $1.700000000e+01, v6;
	v1 =	vpop (erf);
	v5 =	vor.u32 v60, v5  }
0x54: {  	v3 =	vsub.f32 $0.0e+00, v3;
	v8 =	vpop (erf)  }
0x55: {  	v6 =	vadd.f32 $5.000000070e-02, v6;
	v61 =	vadd.f32 $1.000000000e+00, v8  }
0x56: {  	s20 =	sor.u32 $0x50, s17;
	v2 =	vcvt.s32.f32 v2;
	v3 =	vmul.f32 $1.442695020e+00, v3  }
0x57: {  	v63 =	vld [tilespmem:s20+$0x0];
	v62 =	vmul.f32 v6, v0;
	(erf) = vrcp.f32 v61  }
0x58: {  	(erf) = vpow2.f32 v3;
	v3 =	vld.idx.msk [tilespmem:v5+s9+$0x0], $0xffff  }
0x59: {  	v2 =	vmul.f32 $5.000000070e-02, v2;
	v7 =	vtrunc.f32 v62  }
0x5a: {  	v7 =	vcvt.f32.s32 v7  }
0x5b: {  	v2 =	vsub.f32 v4, v2;
	v5 =	vld.idx.msk [tilespmem:v5+s8+$0x0], $0xffff  }
0x5c: {  	vm4 =	vgt.s32 v7, $0x0  }
0x5d: {  	v14 =	vmax.f32 v63, $-1.700000000e+01;
	v2 =	vmul.f32 v2, v3;
	v3 =	vnsel vm4, $0x0, v7  }
0x5e: {  	v7 =	vmin.f32 v14, $8.000000000e+00;
	v3 =	vmin.u32 v3, $0x1F4  }
0x5f: {  	v7 =	vadd.f32 $1.700000000e+01, v7;
	v13 =	vshll.u32 v3, $0x3  }
0x60: {  	v12 =	vadd.f32 v2, v5;
	v15 =	vand.u32 $0x7F, v3;
	v5 =	vand.u32 $0xC00, v13  }
0x61: {  	v5 =	vor.u32 v15, v5  }
0x62: {  	v7 =	vadd.f32 $5.000000070e-02, v7;
	v2 =	vpop (erf)  }
0x63: {  	v3 =	vcvt.s32.f32 v3;
	v4 =	vsub.f32 $0.0e+00, v12;
	v9 =	vpop (erf)  }
0x64: {  	s21 =	sor.u32 $0x60, s17;
	v17 =	vmul.f32 v7, v0;
	v16 =	vadd.f32 $1.000000000e+00, v9  }
0x65: {  	v19 =	vld [tilespmem:s21+$0x0];
	v3 =	vmul.f32 $5.000000070e-02, v3;
	v4 =	vmul.f32 $1.442695020e+00, v4  }
0x66: {  	v8 =	vtrunc.f32 v17;
	(erf) = vrcp.f32 v16;
	v18 =	vld.idx.msk [tilespmem:v5+s9+$0x0], $0xffff  }
0x67: {  	v8 =	vcvt.f32.s32 v8;
	(erf) = vpow2.f32 v4;
	_ =	sdelay $0x1  }
0x68: {  	v3 =	vsub.f32 v6, v3;
	v5 =	vld.idx.msk [tilespmem:v5+s8+$0x0], $0xffff;
	vm5 =	vgt.s32 v8, $0x0  }
0x69: {  	v20 =	vnsel vm5, $0x0, v8  }
0x6a: {  	v22 =	vmax.f32 v19, $-1.700000000e+01;
	v4 =	vmin.u32 v20, $0x1F4;
	v3 =	vmul.f32 v3, v18  }
0x6b: {  	v8 =	vmin.f32 v22, $8.000000000e+00;
	v21 =	vshll.u32 v4, $0x3  }
0x6c: {  	v8 =	vadd.f32 $1.700000000e+01, v8;
	v23 =	vand.u32 $0x7F, v4;
	v6 =	vand.u32 $0xC00, v21  }
0x6d: {  	v6 =	vor.u32 v23, v6;
	v5 =	vadd.f32 v3, v5  }
0x6e: {  	v8 =	vadd.f32 $5.000000070e-02, v8;
	v3 =	vpop (erf)  }
0x6f: {  	v4 =	vcvt.s32.f32 v4;
	v5 =	vsub.f32 $0.0e+00, v5;
	v10 =	vpop (erf)  }
0x70: {  	s22 =	sor.u32 $0x70, s17;
	v25 =	vmul.f32 v8, v0;
	v24 =	vadd.f32 $1.000000000e+00, v10  }
0x71: {  	v27 =	vld [tilespmem:s22+$0x0];
	v4 =	vmul.f32 $5.000000070e-02, v4;
	v5 =	vmul.f32 $1.442695020e+00, v5  }
0x72: {  	v9 =	vtrunc.f32 v25;
	v26 =	vld.idx.msk [tilespmem:v6+s9+$0x0], $0xffff;
	(erf) = vrcp.f32 v24  }
0x73: {  	v9 =	vcvt.f32.s32 v9;
	(erf) = vpow2.f32 v5;
	_ =	sdelay $0x1  }
0x74: {  	v4 =	vsub.f32 v7, v4;
	v6 =	vld.idx.msk [tilespmem:v6+s8+$0x0], $0xffff;
	vm6 =	vgt.s32 v9, $0x0  }
0x75: {  	v28 =	vnsel vm6, $0x0, v9  }
0x76: {  	v30 =	vmax.f32 v27, $-1.700000000e+01;
	v5 =	vmin.u32 v28, $0x1F4;
	v4 =	vmul.f32 v4, v26  }
0x77: {  	v9 =	vmin.f32 v30, $8.000000000e+00;
	v29 =	vshll.u32 v5, $0x3  }
0x78: {  	v9 =	vadd.f32 $1.700000000e+01, v9;
	v31 =	vand.u32 $0x7F, v5;
	v7 =	vand.u32 $0xC00, v29  }
0x79: {  	v7 =	vor.u32 v31, v7;
	v6 =	vadd.f32 v4, v6  }
0x7a: {  	v9 =	vadd.f32 $5.000000070e-02, v9;
	v4 =	vpop (erf)  }
0x7b: {  	v5 =	vcvt.s32.f32 v5;
	v6 =	vsub.f32 $0.0e+00, v6;
	v11 =	vpop (erf)  }
0x7c: {  	s23 =	sor.u32 $0x200, s17;
	v33 =	vmul.f32 v9, v0;
	v32 =	vadd.f32 $1.000000000e+00, v11  }
0x7d: {  	v35 =	vld [tilespmem:s23+$0x0];
	v5 =	vmul.f32 $5.000000070e-02, v5;
	v6 =	vmul.f32 $1.442695020e+00, v6  }
0x7e: {  	v10 =	vtrunc.f32 v33;
	v34 =	vld.idx.msk [tilespmem:v7+s9+$0x0], $0xffff;
	(erf) = vrcp.f32 v32  }
0x7f: {  	v10 =	vcvt.f32.s32 v10;
	(erf) = vpow2.f32 v6;
	_ =	sdelay $0x1  }
0x80: {  	v5 =	vsub.f32 v8, v5;
	v7 =	vld.idx.msk [tilespmem:v7+s8+$0x0], $0xffff;
	vm7 =	vgt.s32 v10, $0x0  }
0x81: {  	v36 =	vnsel vm7, $0x0, v10  }
0x82: {  	v38 =	vmax.f32 v35, $-1.700000000e+01;
	v5 =	vmul.f32 v5, v34;
	v6 =	vmin.u32 v36, $0x1F4  }
0x83: {  	v10 =	vmin.f32 v38, $8.000000000e+00;
	v37 =	vshll.u32 v6, $0x3  }
0x84: {  	v10 =	vadd.f32 $1.700000000e+01, v10;
	v39 =	vand.u32 $0x7F, v6;
	v8 =	vand.u32 $0xC00, v37  }
0x85: {  	v7 =	vadd.f32 v5, v7;
	v8 =	vor.u32 v39, v8  }
0x86: {  	v10 =	vadd.f32 $5.000000070e-02, v10;
	v5 =	vpop (erf)  }
0x87: {  	v6 =	vcvt.s32.f32 v6;
	v7 =	vsub.f32 $0.0e+00, v7;
	v12 =	vpop (erf)  }
0x88: {  	s24 =	sor.u32 $0x210, s17;
	v41 =	vmul.f32 v10, v0;
	v40 =	vadd.f32 $1.000000000e+00, v12  }
0x89: {  	v43 =	vld [tilespmem:s24+$0x0];
	v6 =	vmul.f32 $5.000000070e-02, v6;
	v7 =	vmul.f32 $1.442695020e+00, v7  }
0x8a: {  	v11 =	vtrunc.f32 v41;
	v42 =	vld.idx.msk [tilespmem:v8+s9+$0x0], $0xffff;
	(erf) = vrcp.f32 v40  }
0x8b: {  	v11 =	vcvt.f32.s32 v11;
	(erf) = vpow2.f32 v7;
	_ =	sdelay $0x1  }
0x8c: {  	v6 =	vsub.f32 v9, v6;
	vm8 =	vgt.s32 v11, $0x0;
	v8 =	vld.idx.msk [tilespmem:v8+s8+$0x0], $0xffff  }
0x8d: {  	v46 =	vmax.f32 v43, $-1.700000000e+01;
	v44 =	vnsel vm8, $0x0, v11  }
0x8e: {  	v11 =	vmin.f32 v46, $8.000000000e+00;
	v6 =	vmul.f32 v6, v42;
	v7 =	vmin.u32 v44, $0x1F4  }
0x8f: {  	v11 =	vadd.f32 $1.700000000e+01, v11;
	v45 =	vshll.u32 v7, $0x3  }
0x90: {  	v47 =	vand.u32 $0x7F, v7;
	v9 =	vand.u32 $0xC00, v45  }
0x91: {  	v11 =	vadd.f32 $5.000000070e-02, v11;
	v8 =	vadd.f32 v6, v8;
	v9 =	vor.u32 v47, v9  }
0x92: {  	v6 =	vpop (erf)  }
0x93: {  	v49 =	vmul.f32 v11, v0;
	v8 =	vsub.f32 $0.0e+00, v8;
	v13 =	vpop (erf)  }
0x94: {  	s25 =	sor.u32 $0x220, s17;
	v7 =	vcvt.s32.f32 v7;
	v48 =	vadd.f32 $1.000000000e+00, v13  }
0x95: {  	v51 =	vld [tilespmem:s25+$0x0];
	v12 =	vtrunc.f32 v49;
	v8 =	vmul.f32 $1.442695020e+00, v8  }
0x96: {  	v7 =	vmul.f32 $5.000000070e-02, v7;
	v50 =	vld.idx.msk [tilespmem:v9+s9+$0x0], $0xffff;
	(erf) = vrcp.f32 v48  }
0x97: {  	v12 =	vcvt.f32.s32 v12;
	(erf) = vpow2.f32 v8;
	_ =	sdelay $0x1  }
0x98: {  	v7 =	vsub.f32 v10, v7;
	vm9 =	vgt.s32 v12, $0x0;
	v9 =	vld.idx.msk [tilespmem:v9+s8+$0x0], $0xffff  }
0x99: {  	v52 =	vnsel vm9, $0x0, v12  }
0x9a: {  	v54 =	vmax.f32 v51, $-1.700000000e+01;
	v7 =	vmul.f32 v7, v50;
	v8 =	vmin.u32 v52, $0x1F4  }
0x9b: {  	v12 =	vmin.f32 v54, $8.000000000e+00;
	v53 =	vshll.u32 v8, $0x3  }
0x9c: {  	v12 =	vadd.f32 $1.700000000e+01, v12;
	v55 =	vand.u32 $0x7F, v8;
	v10 =	vand.u32 $0xC00, v53  }
0x9d: {  	v9 =	vadd.f32 v7, v9;
	v10 =	vor.u32 v55, v10  }
0x9e: {  	v12 =	vadd.f32 $5.000000070e-02, v12;
	v7 =	vpop (erf)  }
0x9f: {  	v9 =	vsub.f32 $0.0e+00, v9;
	v14 =	vpop (erf)  }
0xa0: {  	s26 =	sor.u32 $0x230, s17;
	v57 =	vmul.f32 v12, v0;
	v56 =	vadd.f32 $1.000000000e+00, v14  }
0xa1: {  	v59 =	vld [tilespmem:s26+$0x0];
	v8 =	vcvt.s32.f32 v8;
	v9 =	vmul.f32 $1.442695020e+00, v9  }
0xa2: {  	v13 =	vtrunc.f32 v57;
	v58 =	vld.idx.msk [tilespmem:v10+s9+$0x0], $0xffff;
	(erf) = vrcp.f32 v56  }
0xa3: {  	v8 =	vmul.f32 $5.000000070e-02, v8;
	(erf) = vpow2.f32 v9  }
0xa4: {  	v13 =	vcvt.f32.s32 v13  }
0xa5: {  	v8 =	vsub.f32 v11, v8;
	v10 =	vld.idx.msk [tilespmem:v10+s8+$0x0], $0xffff  }
0xa6: {  	vm10 =	vgt.s32 v13, $0x0  }
0xa7: {  	v62 =	vmax.f32 v59, $-1.700000000e+01;
	v60 =	vnsel vm10, $0x0, v13;
	v8 =	vmul.f32 v8, v58  }
0xa8: {  	v13 =	vmin.f32 v62, $8.000000000e+00;
	v9 =	vmin.u32 v60, $0x1F4  }
0xa9: {  	v13 =	vadd.f32 $1.700000000e+01, v13;
	v61 =	vshll.u32 v9, $0x3  }
0xaa: {  	v63 =	vand.u32 $0x7F, v9;
	v10 =	vadd.f32 v8, v10;
	v11 =	vand.u32 $0xC00, v61  }
0xab: {  	v11 =	vor.u32 v63, v11;
	v8 =	vpop (erf)  }
0xac: {  	v13 =	vadd.f32 $5.000000070e-02, v13;
	v10 =	vsub.f32 $0.0e+00, v10;
	v15 =	vpop (erf)  }
0xad: {  	v17 =	vadd.f32 $1.000000000e+00, v15  }
0xae: {  	s28 =	sor.u32 $0x240, s17;
	v18 =	vmul.f32 v13, v0;
	v10 =	vmul.f32 $1.442695020e+00, v10  }
0xaf: {  	v20 =	vld [tilespmem:s28+$0x0];
	v9 =	vcvt.s32.f32 v9;
	(erf) = vrcp.f32 v17  }
0xb0: {  	v14 =	vtrunc.f32 v18;
	v19 =	vld.idx.msk [tilespmem:v11+s9+$0x0], $0xffff;
	(erf) = vpow2.f32 v10  }
0xb1: {  	v14 =	vcvt.f32.s32 v14;
	v9 =	vmul.f32 $5.000000070e-02, v9  }
0xb2: {  	v11 =	vld.idx.msk [tilespmem:v11+s8+$0x0], $0xffff  }
0xb3: {  	vm11 =	vgt.s32 v14, $0x0;
	v9 =	vsub.f32 v12, v9  }
0xb4: {  	v23 =	vmax.f32 v20, $-1.700000000e+01;
	v21 =	vnsel vm11, $0x0, v14  }
0xb5: {  	v14 =	vmin.f32 v23, $8.000000000e+00;
	v9 =	vmul.f32 v9, v19;
	v10 =	vmin.u32 v21, $0x1F4  }
0xb6: {  	v14 =	vadd.f32 $1.700000000e+01, v14;
	v22 =	vshll.u32 v10, $0x3  }
0xb7: {  	v25 =	vand.u32 $0x7F, v10;
	v11 =	vadd.f32 v9, v11;
	v12 =	vand.u32 $0xC00, v22  }
0xb8: {  	v12 =	vor.u32 v25, v12;
	v24 =	vpop (erf)  }
0xb9: {  	v14 =	vadd.f32 $5.000000070e-02, v14;
	v11 =	vsub.f32 $0.0e+00, v11;
	v16 =	vpop (erf)  }
0xba: {  	v26 =	vadd.f32 $1.000000000e+00, v16  }
0xbb: {  	s29 =	sor.u32 $0x250, s17;
	v27 =	vmul.f32 v14, v0;
	v11 =	vmul.f32 $1.442695020e+00, v11  }
0xbc: {  	v29 =	vld [tilespmem:s29+$0x0];
	v10 =	vcvt.s32.f32 v10;
	(erf) = vrcp.f32 v26  }
0xbd: {  	v15 =	vtrunc.f32 v27;
	v28 =	vld.idx.msk [tilespmem:v12+s9+$0x0], $0xffff;
	(erf) = vpow2.f32 v11  }
0xbe: {  	v15 =	vcvt.f32.s32 v15;
	v10 =	vmul.f32 $5.000000070e-02, v10  }
0xbf: {  	v12 =	vld.idx.msk [tilespmem:v12+s8+$0x0], $0xffff  }
0xc0: {  	vm12 =	vgt.s32 v15, $0x0;
	v10 =	vsub.f32 v13, v10  }
0xc1: {  	v32 =	vmax.f32 v29, $-1.700000000e+01;
	v30 =	vnsel vm12, $0x0, v15  }
0xc2: {  	v13 =	vmin.f32 v32, $8.000000000e+00;
	v10 =	vmul.f32 v10, v28;
	v11 =	vmin.u32 v30, $0x1F4  }
0xc3: {  	v13 =	vadd.f32 $1.700000000e+01, v13;
	v31 =	vshll.u32 v11, $0x3  }
0xc4: {  	v34 =	vand.u32 $0x7F, v11;
	v10 =	vadd.f32 v10, v12;
	v12 =	vand.u32 $0xC00, v31  }
0xc5: {  	v12 =	vor.u32 v34, v12;
	v33 =	vpop (erf)  }
0xc6: {  	v13 =	vadd.f32 $5.000000070e-02, v13;
	v10 =	vsub.f32 $0.0e+00, v10;
	v17 =	vpop (erf)  }
0xc7: {  	v35 =	vadd.f32 $1.000000000e+00, v17  }
0xc8: {  	s30 =	sor.u32 $0x260, s17;
	v36 =	vmul.f32 v13, v0;
	v10 =	vmul.f32 $1.442695020e+00, v10  }
0xc9: {  	v38 =	vld [tilespmem:s30+$0x0];
	v11 =	vcvt.s32.f32 v11;
	(erf) = vrcp.f32 v35  }
0xca: {  	v16 =	vtrunc.f32 v36;
	v37 =	vld.idx.msk [tilespmem:v12+s9+$0x0], $0xffff;
	(erf) = vpow2.f32 v10  }
0xcb: {  	v16 =	vcvt.f32.s32 v16;
	v11 =	vmul.f32 $5.000000070e-02, v11  }
0xcc: {  	v12 =	vld.idx.msk [tilespmem:v12+s8+$0x0], $0xffff  }
0xcd: {  	vm13 =	vgt.s32 v16, $0x0;
	v11 =	vsub.f32 v14, v11  }
0xce: {  	v41 =	vmax.f32 v38, $-1.700000000e+01;
	v39 =	vnsel vm13, $0x0, v16  }
0xcf: {  	v14 =	vmin.f32 v41, $8.000000000e+00;
	v10 =	vmul.f32 v11, v37;
	v11 =	vmin.u32 v39, $0x1F4  }
0xd0: {  	v14 =	vadd.f32 $1.700000000e+01, v14;
	v40 =	vshll.u32 v11, $0x3  }
0xd1: {  	v43 =	vand.u32 $0x7F, v11;
	v10 =	vadd.f32 v10, v12;
	v12 =	vand.u32 $0xC00, v40  }
0xd2: {  	v12 =	vor.u32 v43, v12;
	v42 =	vpop (erf)  }
0xd3: {  	v14 =	vadd.f32 $5.000000070e-02, v14;
	v10 =	vsub.f32 $0.0e+00, v10;
	v18 =	vpop (erf)  }
0xd4: {  	v44 =	vadd.f32 $1.000000000e+00, v18  }
0xd5: {  	s31 =	sor.u32 $0x270, s17;
	v45 =	vmul.f32 v14, v0;
	v10 =	vmul.f32 $1.442695020e+00, v10  }
0xd6: {  	v47 =	vld [tilespmem:s31+$0x0];
	v11 =	vcvt.s32.f32 v11;
	(erf) = vrcp.f32 v44  }
0xd7: {  	v17 =	vtrunc.f32 v45;
	v46 =	vld.idx.msk [tilespmem:v12+s9+$0x0], $0xffff;
	(erf) = vpow2.f32 v10  }
0xd8: {  	v17 =	vcvt.f32.s32 v17;
	v11 =	vmul.f32 $5.000000070e-02, v11  }
0xd9: {  	v12 =	vld.idx.msk [tilespmem:v12+s8+$0x0], $0xffff  }
0xda: {  	vm14 =	vgt.s32 v17, $0x0;
	v11 =	vsub.f32 v13, v11  }
0xdb: {  	v49 =	vmax.f32 v47, $-1.700000000e+01;
	v48 =	vnsel vm14, $0x0, v17  }
0xdc: {  	v13 =	vmin.f32 v49, $8.000000000e+00;
	v10 =	vmul.f32 v11, v46;
	v11 =	vmin.u32 v48, $0x1F4  }
0xdd: {  	v13 =	vadd.f32 $1.700000000e+01, v13;
	v50 =	vshll.u32 v11, $0x3  }
0xde: {  	v51 =	vand.u32 $0x7F, v11;
	v10 =	vadd.f32 v10, v12;
	v12 =	vand.u32 $0xC00, v50  }
0xdf: {  	v12 =	vor.u32 v51, v12;
	v52 =	vpop (erf)  }
0xe0: {  	v13 =	vadd.f32 $5.000000070e-02, v13;
	v10 =	vsub.f32 $0.0e+00, v10;
	v53 =	vpop (erf)  }
0xe1: {  	v17 =	vadd.f32 $1.000000000e+00, v53  }
0xe2: {  	v19 =	vmul.f32 v13, v0;
	v10 =	vmul.f32 $1.442695020e+00, v10  }
0xe3: {  	v11 =	vcvt.s32.f32 v11;
	(erf) = vrcp.f32 v17  }
0xe4: {  	v55 =	vtrunc.f32 v19;
	v54 =	vld.idx.msk [tilespmem:v12+s9+$0x0], $0xffff;
	(erf) = vpow2.f32 v10  }
0xe5: {  	v11 =	vmul.f32 $5.000000070e-02, v11;
	v17 =	vcvt.f32.s32 v55  }
0xe6: {  	v12 =	vld.idx.msk [tilespmem:v12+s8+$0x0], $0xffff  }
0xe7: {  	v11 =	vsub.f32 v14, v11;
	vm15 =	vgt.s32 v17, $0x0  }
0xe8: {  	v56 =	vnsel vm15, $0x0, v17  }
0xe9: {  	v10 =	vmul.f32 v11, v54;
	v57 =	vmin.u32 v56, $0x1F4  }
0xea: {  	v14 =	vshll.u32 v57, $0x3  }
0xeb: {  	v10 =	vadd.f32 v10, v12;
	v58 =	vand.u32 $0x7F, v57;
	v14 =	vand.u32 $0xC00, v14  }
0xec: {  	v12 =	vor.u32 v58, v14;
	v59 =	vpop (erf)  }
0xed: {  	v10 =	vsub.f32 $0.0e+00, v10;
	v60 =	vpop (erf)  }
0xee: {  	v14 =	vadd.f32 $1.000000000e+00, v60  }
0xef: {  	v10 =	vmul.f32 $1.442695020e+00, v10  }
0xf0: {  	v11 =	vcvt.s32.f32 v57;
	(erf) = vrcp.f32 v14  }
0xf1: {  	v61 =	vld.idx.msk [tilespmem:v12+s9+$0x0], $0xffff;
	(erf) = vpow2.f32 v10  }
0xf2: {  	v11 =	vmul.f32 $5.000000070e-02, v11  }
0xf3: {  	v12 =	vld.idx.msk [tilespmem:v12+s8+$0x0], $0xffff  }
0xf4: {  	v11 =	vsub.f32 v13, v11;
	_ =	sdelay $0x1  }
0xf5: {  	v10 =	vmul.f32 v11, v61;
	_ =	sdelay $0x1  }
0xf6: {  	v10 =	vadd.f32 v10, v12  }
0xf7: {  	v62 =	vpop (erf)  }
0xf8: {  	v10 =	vsub.f32 $0.0e+00, v10;
	v63 =	vpop (erf)  }
0xf9: {  	v12 =	vadd.f32 $1.000000000e+00, v63  }
0xfa: {  	v10 =	vmul.f32 $1.442695020e+00, v10  }
0xfb: {  	(erf) = vrcp.f32 v12  }
0xfc: {  	(erf) = vpow2.f32 v10;
	_ =	sdelay $0x6  }
0xfd: {  	[tilespmem:s17+$0x2800] =	vst v1  }
0xfe: {  	[tilespmem:s17+$0x2810] =	vst v2;
	v1 =	vpop (erf)  }
0xff: {  	[tilespmem:s17+$0x2820] =	vst v3;
	v2 =	vpop (erf)  }
0x100: {  	[tilespmem:s17+$0x2830] =	vst v4;
	v2 =	vadd.f32 $1.000000000e+00, v2  }
0x101: {  	[tilespmem:s17+$0x2840] =	vst v5  }
0x102: {  	[tilespmem:s17+$0x2850] =	vst v6;
	(erf) = vrcp.f32 v2  }
0x103: {  	[tilespmem:s17+$0x2860] =	vst v7  }
0x104: {  	[tilespmem:s17+$0x2870] =	vst v8  }
0x105: {  	[tilespmem:s17+$0x2A00] =	vst v24  }
0x106: {  	[tilespmem:s17+$0x2A10] =	vst v33  }
0x107: {  	p2 =	por p0, p0;
	[tilespmem:s17+$0x2A20] =	vst v42  }
.Ltmp0:
0x108: {  	[tilespmem:s17+$0x2A30] =	vst v52;
	(pc) =	sbr.rel @p2 .LBB2_2-.Ltmp0, $4  }
0x109: {  	[tilespmem:s17+$0x2A40] =	vst v59  }
0x10a: {  	[tilespmem:s17+$0x2A50] =	vst v62  }
0x10b: {  	[tilespmem:s17+$0x2A60] =	vst v1;
	v1 =	vpop (erf)  }
0x10c: {  	p0 =	por $0x0, $0x0;
	s16 =	simm.s32 $0x0;
	[tilespmem:s17+$0x2A70] =	vst v1;
	s17 =	simm.s32 $0x400  }
0x10d: {  	s17 =	simm.s32 $0x0  }
.LBB2_4:
0x10e: {  	s18 =	sor.u32 $0x80, s17  }
0x10f: {  	v1 =	vld [tilespmem:s18+$0x0];
	_ =	sdelay $0x4  }
0x110: {  	v1 =	vmax.f32 v1, $-1.700000000e+01  }
0x111: {  	v1 =	vmin.f32 v1, $8.000000000e+00  }
0x112: {  	v1 =	vadd.f32 $1.700000000e+01, v1;
	_ =	sdelay $0x1  }
0x113: {  	v1 =	vadd.f32 $5.000000070e-02, v1;
	_ =	sdelay $0x1  }
0x114: {  	v2 =	vmul.f32 v1, v0;
	_ =	sdelay $0x1  }
0x115: {  	v2 =	vtrunc.f32 v2  }
0x116: {  	s29 =	sor.u32 $0x90, s17;
	v2 =	vcvt.f32.s32 v2  }
0x117: {  	v3 =	vld [tilespmem:s29+$0x0]  }
0x118: {  	vm0 =	vgt.s32 v2, $0x0  }
0x119: {  	v2 =	vnsel vm0, $0x0, v2  }
0x11a: {  	v2 =	vmin.u32 v2, $0x1F4  }
0x11b: {  	v4 =	vshll.u32 v2, $0x3  }
0x11c: {  	v3 =	vmax.f32 v3, $-1.700000000e+01;
	v5 =	vand.u32 $0x7F, v2;
	v4 =	vand.u32 $0xC00, v4  }
0x11d: {  	v3 =	vmin.f32 v3, $8.000000000e+00;
	v4 =	vor.u32 v4, v5  }
0x11e: {  	v3 =	vadd.f32 $1.700000000e+01, v3;
	v4 =	vor.u32 $0x80, v4;
	_ =	sdelay $0x1  }
0x11f: {  	v3 =	vadd.f32 $5.000000070e-02, v3;
	_ =	sdelay $0x1  }
0x120: {  	v43 =	vmul.f32 v3, v0;
	v2 =	vcvt.s32.f32 v2  }
0x121: {  	s30 =	sor.u32 $0xA0, s17;
	v6 =	vld.idx.msk [tilespmem:v4+s9+$0x0], $0xffff  }
0x122: {  	v7 =	vld [tilespmem:s30+$0x0];
	v2 =	vmul.f32 $5.000000070e-02, v2;
	v5 =	vtrunc.f32 v43  }
0x123: {  	v5 =	vcvt.f32.s32 v5;
	v4 =	vld.idx.msk [tilespmem:v4+s8+$0x0], $0xffff  }
0x124: {  	v1 =	vsub.f32 v1, v2  }
0x125: {  	vm13 =	vgt.s32 v5, $0x0  }
0x126: {  	v2 =	vnsel vm13, $0x0, v5;
	v1 =	vmul.f32 v1, v6  }
0x127: {  	v44 =	vmax.f32 v7, $-1.700000000e+01;
	v2 =	vmin.u32 v2, $0x1F4  }
0x128: {  	v5 =	vmin.f32 v44, $8.000000000e+00;
	v45 =	vshll.u32 v2, $0x3;
	v1 =	vadd.f32 v1, v4  }
0x129: {  	v5 =	vadd.f32 $1.700000000e+01, v5;
	v46 =	vand.u32 $0x7F, v2;
	v4 =	vand.u32 $0xC00, v45  }
0x12a: {  	v4 =	vor.u32 v4, v46;
	v1 =	vsub.f32 $0.0e+00, v1  }
0x12b: {  	v5 =	vadd.f32 $5.000000070e-02, v5;
	v4 =	vor.u32 $0x80, v4  }
0x12c: {  	v1 =	vmul.f32 $1.442695020e+00, v1  }
0x12d: {  	v47 =	vmul.f32 v5, v0  }
0x12e: {  	(erf) = vpow2.f32 v1  }
0x12f: {  	v1 =	vcvt.s32.f32 v2;
	v2 =	vtrunc.f32 v47  }
0x130: {  	s31 =	sor.u32 $0xB0, s17;
	v48 =	vld.idx.msk [tilespmem:v4+s9+$0x0], $0xffff;
	v2 =	vcvt.f32.s32 v2  }
0x131: {  	v49 =	vld [tilespmem:s31+$0x0];
	v1 =	vmul.f32 $5.000000070e-02, v1  }
0x132: {  	v4 =	vld.idx.msk [tilespmem:v4+s8+$0x0], $0xffff;
	vm14 =	vgt.s32 v2, $0x0  }
0x133: {  	v1 =	vsub.f32 v3, v1;
	v2 =	vnsel vm14, $0x0, v2  }
0x134: {  	v2 =	vmin.u32 v2, $0x1F4  }
0x135: {  	v1 =	vmul.f32 v1, v48;
	v3 =	vshll.u32 v2, $0x3  }
0x136: {  	v7 =	vmax.f32 v49, $-1.700000000e+01;
	v50 =	vand.u32 $0x7F, v2;
	v3 =	vand.u32 $0xC00, v3  }
0x137: {  	v51 =	vmin.f32 v7, $8.000000000e+00;
	v1 =	vadd.f32 v1, v4;
	v3 =	vor.u32 v3, v50  }
0x138: {  	v4 =	vadd.f32 $1.700000000e+01, v51;
	v3 =	vor.u32 $0x80, v3  }
0x139: {  	v52 =	vpop (erf);
	v1 =	vsub.f32 $0.0e+00, v1  }
0x13a: {  	v6 =	vadd.f32 $1.000000000e+00, v52;
	v4 =	vadd.f32 $5.000000070e-02, v4  }
0x13b: {  	s19 =	sor.u32 $0xC0, s17;
	v2 =	vcvt.s32.f32 v2;
	v1 =	vmul.f32 $1.442695020e+00, v1  }
0x13c: {  	v54 =	vld [tilespmem:s19+$0x0];
	(erf) = vrcp.f32 v6;
	v53 =	vmul.f32 v4, v0  }
0x13d: {  	(erf) = vpow2.f32 v1;
	v1 =	vld.idx.msk [tilespmem:v3+s9+$0x0], $0xffff  }
0x13e: {  	v2 =	vmul.f32 $5.000000070e-02, v2;
	v6 =	vtrunc.f32 v53  }
0x13f: {  	v6 =	vcvt.f32.s32 v6  }
0x140: {  	v2 =	vsub.f32 v5, v2;
	v3 =	vld.idx.msk [tilespmem:v3+s8+$0x0], $0xffff  }
0x141: {  	vm15 =	vgt.s32 v6, $0x0  }
0x142: {  	v55 =	vmax.f32 v54, $-1.700000000e+01;
	v1 =	vmul.f32 v2, v1;
	v2 =	vnsel vm15, $0x0, v6  }
0x143: {  	v5 =	vmin.f32 v55, $8.000000000e+00;
	v2 =	vmin.u32 v2, $0x1F4  }
0x144: {  	v5 =	vadd.f32 $1.700000000e+01, v5;
	v56 =	vshll.u32 v2, $0x3  }
0x145: {  	v3 =	vadd.f32 v1, v3;
	v57 =	vand.u32 $0x7F, v2;
	v6 =	vand.u32 $0xC00, v56  }
0x146: {  	v1 =	vpop (erf);
	v6 =	vor.u32 v6, v57  }
0x147: {  	v5 =	vadd.f32 $5.000000070e-02, v5;
	v3 =	vsub.f32 $0.0e+00, v3;
	v8 =	vpop (erf);
	v6 =	vor.u32 $0x80, v6  }
0x148: {  	v58 =	vadd.f32 $1.000000000e+00, v8  }
0x149: {  	v59 =	vmul.f32 v5, v0;
	v3 =	vmul.f32 $1.442695020e+00, v3  }
0x14a: {  	v2 =	vcvt.s32.f32 v2;
	(erf) = vrcp.f32 v58  }
0x14b: {  	(erf) = vpow2.f32 v3;
	v3 =	vtrunc.f32 v59  }
0x14c: {  	s20 =	sor.u32 $0xD0, s17;
	v60 =	vld.idx.msk [tilespmem:v6+s9+$0x0], $0xffff;
	v3 =	vcvt.f32.s32 v3  }
0x14d: {  	v61 =	vld [tilespmem:s20+$0x0];
	v2 =	vmul.f32 $5.000000070e-02, v2  }
0x14e: {  	vm4 =	vgt.s32 v3, $0x0  }
0x14f: {  	v2 =	vsub.f32 v4, v2;
	v6 =	vld.idx.msk [tilespmem:v6+s8+$0x0], $0xffff;
	v3 =	vnsel vm4, $0x0, v3  }
0x150: {  	v3 =	vmin.u32 v3, $0x1F4  }
0x151: {  	v4 =	vmul.f32 v2, v60;
	v2 =	vshll.u32 v3, $0x3  }
0x152: {  	v8 =	vmax.f32 v61, $-1.700000000e+01;
	v62 =	vand.u32 $0x7F, v3;
	v9 =	vand.u32 $0xC00, v2  }
0x153: {  	v12 =	vmin.f32 v8, $8.000000000e+00;
	v63 =	vor.u32 v9, v62  }
0x154: {  	v7 =	vadd.f32 $1.700000000e+01, v12;
	v4 =	vadd.f32 v4, v6;
	v6 =	vor.u32 $0x80, v63  }
0x155: {  	v2 =	vpop (erf)  }
0x156: {  	s21 =	sor.u32 $0xE0, s17;
	v7 =	vadd.f32 $5.000000070e-02, v7;
	v13 =	vpop (erf);
	v4 =	vsub.f32 $0.0e+00, v4  }
0x157: {  	v16 =	vld [tilespmem:s21+$0x0];
	v3 =	vcvt.s32.f32 v3;
	v8 =	vadd.f32 $1.000000000e+00, v13  }
0x158: {  	v14 =	vmul.f32 v7, v0;
	v4 =	vmul.f32 $1.442695020e+00, v4  }
0x159: {  	v3 =	vmul.f32 $5.000000070e-02, v3;
	(erf) = vrcp.f32 v8;
	v15 =	vld.idx.msk [tilespmem:v6+s9+$0x0], $0xffff  }
0x15a: {  	v8 =	vtrunc.f32 v14;
	(erf) = vpow2.f32 v4  }
0x15b: {  	v8 =	vcvt.f32.s32 v8  }
0x15c: {  	v18 =	vmax.f32 v16, $-1.700000000e+01;
	v3 =	vsub.f32 v5, v3;
	v6 =	vld.idx.msk [tilespmem:v6+s8+$0x0], $0xffff  }
0x15d: {  	v5 =	vmin.f32 v18, $8.000000000e+00;
	vm5 =	vgt.s32 v8, $0x0  }
0x15e: {  	v5 =	vadd.f32 $1.700000000e+01, v5;
	v17 =	vnsel vm5, $0x0, v8;
	v3 =	vmul.f32 v3, v15  }
0x15f: {  	v4 =	vmin.u32 v17, $0x1F4  }
0x160: {  	v5 =	vadd.f32 $5.000000070e-02, v5;
	v19 =	vshll.u32 v4, $0x3  }
0x161: {  	v20 =	vand.u32 $0x7F, v4;
	v8 =	vand.u32 $0xC00, v19;
	v6 =	vadd.f32 v3, v6  }
0x162: {  	v8 =	vor.u32 v8, v20;
	v3 =	vpop (erf)  }
0x163: {  	v22 =	vmul.f32 v5, v0;
	v8 =	vor.u32 $0x80, v8;
	v6 =	vsub.f32 $0.0e+00, v6;
	v10 =	vpop (erf)  }
0x164: {  	v21 =	vadd.f32 $1.000000000e+00, v10  }
0x165: {  	v23 =	vtrunc.f32 v22;
	v6 =	vmul.f32 $1.442695020e+00, v6  }
0x166: {  	s22 =	sor.u32 $0xF0, s17;
	v4 =	vcvt.s32.f32 v4;
	(erf) = vrcp.f32 v21  }
0x167: {  	v25 =	vld [tilespmem:s22+$0x0];
	(erf) = vpow2.f32 v6;
	v6 =	vcvt.f32.s32 v23  }
0x168: {  	v24 =	vld.idx.msk [tilespmem:v8+s9+$0x0], $0xffff  }
0x169: {  	v4 =	vmul.f32 $5.000000070e-02, v4;
	vm6 =	vgt.s32 v6, $0x0  }
0x16a: {  	v8 =	vld.idx.msk [tilespmem:v8+s8+$0x0], $0xffff;
	v6 =	vnsel vm6, $0x0, v6  }
0x16b: {  	v4 =	vsub.f32 v7, v4;
	v6 =	vmin.u32 v6, $0x1F4  }
0x16c: {  	v10 =	vmax.f32 v25, $-1.700000000e+01;
	v26 =	vshll.u32 v6, $0x3  }
0x16d: {  	v7 =	vmul.f32 v4, v24;
	v27 =	vand.u32 $0x7F, v6;
	v11 =	vand.u32 $0xC00, v26  }
0x16e: {  	v29 =	vmin.f32 v10, $8.000000000e+00;
	v28 =	vor.u32 v11, v27  }
0x16f: {  	v9 =	vadd.f32 $1.700000000e+01, v29;
	v7 =	vadd.f32 v7, v8;
	v8 =	vor.u32 $0x80, v28  }
0x170: {  	v4 =	vpop (erf)  }
0x171: {  	v9 =	vadd.f32 $5.000000070e-02, v9;
	v7 =	vsub.f32 $0.0e+00, v7;
	v30 =	vpop (erf)  }
0x172: {  	s23 =	sor.u32 $0x280, s17;
	v6 =	vcvt.s32.f32 v6;
	v10 =	vadd.f32 $1.000000000e+00, v30  }
0x173: {  	v33 =	vld [tilespmem:s23+$0x0];
	v31 =	vmul.f32 v9, v0;
	v7 =	vmul.f32 $1.442695020e+00, v7  }
0x174: {  	v6 =	vmul.f32 $5.000000070e-02, v6;
	(erf) = vrcp.f32 v10;
	v32 =	vld.idx.msk [tilespmem:v8+s9+$0x0], $0xffff  }
0x175: {  	v10 =	vtrunc.f32 v31;
	(erf) = vpow2.f32 v7  }
0x176: {  	v10 =	vcvt.f32.s32 v10  }
0x177: {  	v5 =	vsub.f32 v5, v6;
	v8 =	vld.idx.msk [tilespmem:v8+s8+$0x0], $0xffff  }
0x178: {  	vm7 =	vgt.s32 v10, $0x0  }
0x179: {  	v35 =	vmax.f32 v33, $-1.700000000e+01;
	v34 =	vnsel vm7, $0x0, v10;
	v5 =	vmul.f32 v5, v32  }
0x17a: {  	v7 =	vmin.f32 v35, $8.000000000e+00;
	v6 =	vmin.u32 v34, $0x1F4  }
0x17b: {  	v7 =	vadd.f32 $1.700000000e+01, v7;
	v36 =	vshll.u32 v6, $0x3  }
0x17c: {  	v37 =	vand.u32 $0x7F, v6;
	v10 =	vand.u32 $0xC00, v36;
	v8 =	vadd.f32 v5, v8  }
0x17d: {  	v7 =	vadd.f32 $5.000000070e-02, v7;
	v10 =	vor.u32 v10, v37;
	v5 =	vpop (erf)  }
0x17e: {  	v10 =	vor.u32 $0x80, v10;
	v8 =	vsub.f32 $0.0e+00, v8;
	v12 =	vpop (erf)  }
0x17f: {  	v39 =	vmul.f32 v7, v0;
	v38 =	vadd.f32 $1.000000000e+00, v12  }
0x180: {  	s24 =	sor.u32 $0x290, s17;
	v6 =	vcvt.s32.f32 v6;
	v8 =	vmul.f32 $1.442695020e+00, v8  }
0x181: {  	v42 =	vld [tilespmem:s24+$0x0];
	v40 =	vtrunc.f32 v39;
	(erf) = vrcp.f32 v38  }
0x182: {  	(erf) = vpow2.f32 v8;
	v8 =	vcvt.f32.s32 v40  }
0x183: {  	v41 =	vld.idx.msk [tilespmem:v10+s9+$0x0], $0xffff  }
0x184: {  	v6 =	vmul.f32 $5.000000070e-02, v6;
	vm8 =	vgt.s32 v8, $0x0  }
0x185: {  	v10 =	vld.idx.msk [tilespmem:v10+s8+$0x0], $0xffff;
	v8 =	vnsel vm8, $0x0, v8  }
0x186: {  	v6 =	vsub.f32 v9, v6;
	v12 =	vmax.f32 v42, $-1.700000000e+01;
	v8 =	vmin.u32 v8, $0x1F4  }
0x187: {  	v46 =	vmin.f32 v12, $8.000000000e+00;
	v43 =	vshll.u32 v8, $0x3  }
0x188: {  	v9 =	vmul.f32 v6, v41;
	v44 =	vand.u32 $0x7F, v8;
	v13 =	vand.u32 $0xC00, v43  }
0x189: {  	v11 =	vadd.f32 $1.700000000e+01, v46;
	v45 =	vor.u32 v13, v44  }
0x18a: {  	v9 =	vadd.f32 v9, v10;
	v10 =	vor.u32 $0x80, v45  }
0x18b: {  	v11 =	vadd.f32 $5.000000070e-02, v11;
	v6 =	vpop (erf)  }
0x18c: {  	v8 =	vcvt.s32.f32 v8;
	v9 =	vsub.f32 $0.0e+00, v9;
	v47 =	vpop (erf)  }
0x18d: {  	s25 =	sor.u32 $0x2A0, s17;
	v48 =	vmul.f32 v11, v0;
	v12 =	vadd.f32 $1.000000000e+00, v47  }
0x18e: {  	v50 =	vld [tilespmem:s25+$0x0];
	v8 =	vmul.f32 $5.000000070e-02, v8;
	v9 =	vmul.f32 $1.442695020e+00, v9  }
0x18f: {  	(erf) = vrcp.f32 v12;
	v12 =	vtrunc.f32 v48;
	v49 =	vld.idx.msk [tilespmem:v10+s9+$0x0], $0xffff  }
0x190: {  	(erf) = vpow2.f32 v9;
	v12 =	vcvt.f32.s32 v12;
	_ =	sdelay $0x1  }
0x191: {  	v7 =	vsub.f32 v7, v8;
	v10 =	vld.idx.msk [tilespmem:v10+s8+$0x0], $0xffff;
	vm9 =	vgt.s32 v12, $0x0  }
0x192: {  	v51 =	vnsel vm9, $0x0, v12  }
0x193: {  	v52 =	vmax.f32 v50, $-1.700000000e+01;
	v8 =	vmin.u32 v51, $0x1F4;
	v7 =	vmul.f32 v7, v49  }
0x194: {  	v9 =	vmin.f32 v52, $8.000000000e+00;
	v53 =	vshll.u32 v8, $0x3  }
0x195: {  	v9 =	vadd.f32 $1.700000000e+01, v9;
	v54 =	vand.u32 $0x7F, v8;
	v12 =	vand.u32 $0xC00, v53  }
0x196: {  	v10 =	vadd.f32 v7, v10;
	v12 =	vor.u32 v12, v54  }
0x197: {  	v9 =	vadd.f32 $5.000000070e-02, v9;
	v12 =	vor.u32 $0x80, v12;
	v7 =	vpop (erf)  }
0x198: {  	v10 =	vsub.f32 $0.0e+00, v10;
	v14 =	vpop (erf)  }
0x199: {  	v56 =	vmul.f32 v9, v0;
	v55 =	vadd.f32 $1.000000000e+00, v14  }
0x19a: {  	s26 =	sor.u32 $0x2B0, s17;
	v8 =	vcvt.s32.f32 v8;
	v10 =	vmul.f32 $1.442695020e+00, v10  }
0x19b: {  	v59 =	vld [tilespmem:s26+$0x0];
	v57 =	vtrunc.f32 v56;
	(erf) = vrcp.f32 v55  }
0x19c: {  	v58 =	vld.idx.msk [tilespmem:v12+s9+$0x0], $0xffff;
	(erf) = vpow2.f32 v10;
	v10 =	vcvt.f32.s32 v57  }
0x19d: {  	v8 =	vmul.f32 $5.000000070e-02, v8  }
0x19e: {  	v12 =	vld.idx.msk [tilespmem:v12+s8+$0x0], $0xffff;
	vm10 =	vgt.s32 v10, $0x0  }
0x19f: {  	v8 =	vsub.f32 v11, v8;
	v10 =	vnsel vm10, $0x0, v10  }
0x1a0: {  	v14 =	vmax.f32 v59, $-1.700000000e+01;
	v10 =	vmin.u32 v10, $0x1F4  }
0x1a1: {  	v63 =	vmin.f32 v14, $8.000000000e+00;
	v11 =	vmul.f32 v8, v58;
	v60 =	vshll.u32 v10, $0x3  }
0x1a2: {  	v13 =	vadd.f32 $1.700000000e+01, v63;
	v61 =	vand.u32 $0x7F, v10;
	v15 =	vand.u32 $0xC00, v60  }
0x1a3: {  	v11 =	vadd.f32 v11, v12;
	v62 =	vor.u32 v15, v61  }
0x1a4: {  	v13 =	vadd.f32 $5.000000070e-02, v13;
	v8 =	vpop (erf);
	v12 =	vor.u32 $0x80, v62  }
0x1a5: {  	v11 =	vsub.f32 $0.0e+00, v11;
	v16 =	vpop (erf)  }
0x1a6: {  	v17 =	vmul.f32 v13, v0;
	v14 =	vadd.f32 $1.000000000e+00, v16  }
0x1a7: {  	s28 =	sor.u32 $0x2C0, s17;
	v10 =	vcvt.s32.f32 v10;
	v11 =	vmul.f32 $1.442695020e+00, v11  }
0x1a8: {  	v19 =	vld [tilespmem:s28+$0x0];
	(erf) = vrcp.f32 v14;
	v14 =	vtrunc.f32 v17  }
0x1a9: {  	(erf) = vpow2.f32 v11;
	v18 =	vld.idx.msk [tilespmem:v12+s9+$0x0], $0xffff;
	v14 =	vcvt.f32.s32 v14  }
0x1aa: {  	v10 =	vmul.f32 $5.000000070e-02, v10  }
0x1ab: {  	v12 =	vld.idx.msk [tilespmem:v12+s8+$0x0], $0xffff;
	vm11 =	vgt.s32 v14, $0x0  }
0x1ac: {  	v9 =	vsub.f32 v9, v10;
	v20 =	vnsel vm11, $0x0, v14  }
0x1ad: {  	v21 =	vmax.f32 v19, $-1.700000000e+01;
	v10 =	vmin.u32 v20, $0x1F4  }
0x1ae: {  	v11 =	vmin.f32 v21, $8.000000000e+00;
	v9 =	vmul.f32 v9, v18;
	v22 =	vshll.u32 v10, $0x3  }
0x1af: {  	v11 =	vadd.f32 $1.700000000e+01, v11;
	v24 =	vand.u32 $0x7F, v10;
	v14 =	vand.u32 $0xC00, v22  }
0x1b0: {  	v12 =	vadd.f32 v9, v12;
	v14 =	vor.u32 v14, v24  }
0x1b1: {  	v11 =	vadd.f32 $5.000000070e-02, v11;
	v23 =	vpop (erf);
	v14 =	vor.u32 $0x80, v14  }
0x1b2: {  	v16 =	vpop (erf);
	v12 =	vsub.f32 $0.0e+00, v12  }
0x1b3: {  	v26 =	vmul.f32 v11, v0;
	v25 =	vadd.f32 $1.000000000e+00, v16  }
0x1b4: {  	s29 =	sor.u32 $0x2D0, s17;
	v10 =	vcvt.s32.f32 v10;
	v12 =	vmul.f32 $1.442695020e+00, v12  }
0x1b5: {  	v29 =	vld [tilespmem:s29+$0x0];
	v27 =	vtrunc.f32 v26;
	(erf) = vrcp.f32 v25  }
0x1b6: {  	(erf) = vpow2.f32 v12;
	v28 =	vld.idx.msk [tilespmem:v14+s9+$0x0], $0xffff;
	v12 =	vcvt.f32.s32 v27  }
0x1b7: {  	v10 =	vmul.f32 $5.000000070e-02, v10  }
0x1b8: {  	v14 =	vld.idx.msk [tilespmem:v14+s8+$0x0], $0xffff;
	vm12 =	vgt.s32 v12, $0x0  }
0x1b9: {  	v10 =	vsub.f32 v13, v10;
	v12 =	vnsel vm12, $0x0, v12  }
0x1ba: {  	v12 =	vmin.u32 v12, $0x1F4  }
0x1bb: {  	v16 =	vmax.f32 v29, $-1.700000000e+01;
	v10 =	vmul.f32 v10, v28;
	v30 =	vshll.u32 v12, $0x3  }
0x1bc: {  	v32 =	vmin.f32 v16, $8.000000000e+00;
	v31 =	vand.u32 $0x7F, v12;
	v13 =	vand.u32 $0xC00, v30  }
0x1bd: {  	v10 =	vadd.f32 v10, v14;
	v13 =	vor.u32 v13, v31;
	v14 =	vadd.f32 $1.700000000e+01, v32  }
0x1be: {  	v13 =	vor.u32 $0x80, v13  }
0x1bf: {  	v17 =	vpop (erf);
	v14 =	vadd.f32 $5.000000070e-02, v14  }
0x1c0: {  	v12 =	vcvt.s32.f32 v12;
	v33 =	vpop (erf);
	v10 =	vsub.f32 $0.0e+00, v10  }
0x1c1: {  	s30 =	sor.u32 $0x2E0, s17;
	v15 =	vadd.f32 $1.000000000e+00, v33;
	v34 =	vmul.f32 v14, v0  }
0x1c2: {  	v36 =	vld [tilespmem:s30+$0x0];
	v12 =	vmul.f32 $5.000000070e-02, v12;
	v10 =	vmul.f32 $1.442695020e+00, v10  }
0x1c3: {  	(erf) = vrcp.f32 v15;
	v35 =	vld.idx.msk [tilespmem:v13+s9+$0x0], $0xffff;
	v15 =	vtrunc.f32 v34  }
0x1c4: {  	(erf) = vpow2.f32 v10;
	v15 =	vcvt.f32.s32 v15  }
0x1c5: {  	v13 =	vld.idx.msk [tilespmem:v13+s8+$0x0], $0xffff  }
0x1c6: {  	v11 =	vsub.f32 v11, v12;
	vm13 =	vgt.s32 v15, $0x0  }
0x1c7: {  	v38 =	vmax.f32 v36, $-1.700000000e+01;
	v37 =	vnsel vm13, $0x0, v15  }
0x1c8: {  	v12 =	vmin.f32 v38, $8.000000000e+00;
	v10 =	vmul.f32 v11, v35;
	v11 =	vmin.u32 v37, $0x1F4  }
0x1c9: {  	v12 =	vadd.f32 $1.700000000e+01, v12;
	v39 =	vshll.u32 v11, $0x3  }
0x1ca: {  	v41 =	vand.u32 $0x7F, v11;
	v10 =	vadd.f32 v10, v13;
	v13 =	vand.u32 $0xC00, v39  }
0x1cb: {  	v12 =	vadd.f32 $5.000000070e-02, v12;
	v13 =	vor.u32 v13, v41  }
0x1cc: {  	v40 =	vpop (erf);
	v13 =	vor.u32 $0x80, v13  }
0x1cd: {  	v43 =	vmul.f32 v12, v0;
	v18 =	vpop (erf);
	v10 =	vsub.f32 $0.0e+00, v10  }
0x1ce: {  	v42 =	vadd.f32 $1.000000000e+00, v18  }
0x1cf: {  	s31 =	sor.u32 $0x2F0, s17;
	v45 =	vtrunc.f32 v43;
	v10 =	vmul.f32 $1.442695020e+00, v10  }
0x1d0: {  	v46 =	vld [tilespmem:s31+$0x0];
	v44 =	vcvt.s32.f32 v11;
	(erf) = vrcp.f32 v42  }
0x1d1: {  	v11 =	vcvt.f32.s32 v45;
	(erf) = vpow2.f32 v10;
	v47 =	vld.idx.msk [tilespmem:v13+s9+$0x0], $0xffff  }
0x1d2: {  	v10 =	vmul.f32 $5.000000070e-02, v44  }
0x1d3: {  	vm14 =	vgt.s32 v11, $0x0;
	v13 =	vld.idx.msk [tilespmem:v13+s8+$0x0], $0xffff  }
0x1d4: {  	v11 =	vnsel vm14, $0x0, v11;
	v10 =	vsub.f32 v14, v10  }
0x1d5: {  	v48 =	vmax.f32 v46, $-1.700000000e+01;
	v11 =	vmin.u32 v11, $0x1F4  }
0x1d6: {  	v49 =	vshll.u32 v11, $0x3;
	v14 =	vmin.f32 v48, $8.000000000e+00;
	v10 =	vmul.f32 v10, v47  }
0x1d7: {  	v50 =	vand.u32 $0x7F, v11;
	v16 =	vand.u32 $0xC00, v49;
	v14 =	vadd.f32 $1.700000000e+01, v14  }
0x1d8: {  	v51 =	vor.u32 v16, v50;
	v10 =	vadd.f32 v10, v13  }
0x1d9: {  	v14 =	vadd.f32 $5.000000070e-02, v14;
	v19 =	vpop (erf);
	v13 =	vor.u32 $0x80, v51  }
0x1da: {  	v52 =	vpop (erf);
	v10 =	vsub.f32 $0.0e+00, v10  }
0x1db: {  	v53 =	vmul.f32 v14, v0;
	v16 =	vadd.f32 $1.000000000e+00, v52  }
0x1dc: {  	v11 =	vcvt.s32.f32 v11;
	v10 =	vmul.f32 $1.442695020e+00, v10  }
0x1dd: {  	v54 =	vtrunc.f32 v53;
	(erf) = vrcp.f32 v16  }
0x1de: {  	v16 =	vcvt.f32.s32 v54;
	v55 =	vld.idx.msk [tilespmem:v13+s9+$0x0], $0xffff;
	(erf) = vpow2.f32 v10  }
0x1df: {  	v11 =	vmul.f32 $5.000000070e-02, v11  }
0x1e0: {  	v13 =	vld.idx.msk [tilespmem:v13+s8+$0x0], $0xffff;
	vm15 =	vgt.s32 v16, $0x0  }
0x1e1: {  	v11 =	vsub.f32 v12, v11;
	v56 =	vnsel vm15, $0x0, v16  }
0x1e2: {  	v12 =	vmin.u32 v56, $0x1F4  }
0x1e3: {  	v57 =	vshll.u32 v12, $0x3;
	v10 =	vmul.f32 v11, v55  }
0x1e4: {  	v58 =	vand.u32 $0x7F, v12;
	v11 =	vand.u32 $0xC00, v57  }
0x1e5: {  	v11 =	vor.u32 v11, v58;
	v10 =	vadd.f32 v10, v13  }
0x1e6: {  	v11 =	vor.u32 $0x80, v11;
	v59 =	vpop (erf)  }
0x1e7: {  	v10 =	vsub.f32 $0.0e+00, v10;
	v60 =	vpop (erf)  }
0x1e8: {  	v16 =	vadd.f32 $1.000000000e+00, v60  }
0x1e9: {  	v10 =	vmul.f32 $1.442695020e+00, v10  }
0x1ea: {  	v12 =	vcvt.s32.f32 v12;
	(erf) = vrcp.f32 v16  }
0x1eb: {  	v61 =	vld.idx.msk [tilespmem:v11+s9+$0x0], $0xffff;
	(erf) = vpow2.f32 v10  }
0x1ec: {  	v12 =	vmul.f32 $5.000000070e-02, v12  }
0x1ed: {  	v11 =	vld.idx.msk [tilespmem:v11+s8+$0x0], $0xffff  }
0x1ee: {  	v12 =	vsub.f32 v14, v12;
	_ =	sdelay $0x1  }
0x1ef: {  	v10 =	vmul.f32 v12, v61;
	_ =	sdelay $0x1  }
0x1f0: {  	v10 =	vadd.f32 v10, v11  }
0x1f1: {  	v62 =	vpop (erf)  }
0x1f2: {  	v10 =	vsub.f32 $0.0e+00, v10;
	v63 =	vpop (erf)  }
0x1f3: {  	v12 =	vadd.f32 $1.000000000e+00, v63  }
0x1f4: {  	v10 =	vmul.f32 $1.442695020e+00, v10  }
0x1f5: {  	(erf) = vrcp.f32 v12  }
0x1f6: {  	(erf) = vpow2.f32 v10;
	_ =	sdelay $0x6  }
0x1f7: {  	[tilespmem:s17+$0x2880] =	vst v1  }
0x1f8: {  	[tilespmem:s17+$0x2890] =	vst v2;
	v1 =	vpop (erf)  }
0x1f9: {  	[tilespmem:s17+$0x28A0] =	vst v3;
	v2 =	vpop (erf)  }
0x1fa: {  	[tilespmem:s17+$0x28B0] =	vst v4;
	v2 =	vadd.f32 $1.000000000e+00, v2  }
0x1fb: {  	[tilespmem:s17+$0x28C0] =	vst v5  }
0x1fc: {  	[tilespmem:s17+$0x28D0] =	vst v6;
	(erf) = vrcp.f32 v2  }
0x1fd: {  	[tilespmem:s17+$0x28E0] =	vst v7  }
0x1fe: {  	[tilespmem:s17+$0x28F0] =	vst v8  }
0x1ff: {  	[tilespmem:s17+$0x2A80] =	vst v23  }
0x200: {  	[tilespmem:s17+$0x2A90] =	vst v17  }
0x201: {  	p2 =	por p1, p1;
	[tilespmem:s17+$0x2AA0] =	vst v40  }
.Ltmp1:
0x202: {  	[tilespmem:s17+$0x2AB0] =	vst v19;
	(pc) =	sbr.rel @p2 .LBB2_4-.Ltmp1, $4  }
0x203: {  	[tilespmem:s17+$0x2AC0] =	vst v59  }
0x204: {  	[tilespmem:s17+$0x2AD0] =	vst v62  }
0x205: {  	[tilespmem:s17+$0x2AE0] =	vst v1;
	v1 =	vpop (erf)  }
0x206: {  	p0 =	por $0x1, $0x1;
	p1 =	por $0x0, $0x0;
	[tilespmem:s17+$0x2AF0] =	vst v1;
	s17 =	simm.s32 $0x400  }
0x207: {  	p1 =	por $0x1, $0x1  }
.LBB2_6:
0x208: {  	s17 =	sor.u32 $0x100, s16  }
0x209: {  	v1 =	vld [tilespmem:s17+$0x0];
	_ =	sdelay $0x4  }
0x20a: {  	v1 =	vmax.f32 v1, $-1.700000000e+01  }
0x20b: {  	v1 =	vmin.f32 v1, $8.000000000e+00  }
0x20c: {  	v1 =	vadd.f32 $1.700000000e+01, v1;
	_ =	sdelay $0x1  }
0x20d: {  	v1 =	vadd.f32 $5.000000070e-02, v1;
	_ =	sdelay $0x1  }
0x20e: {  	v2 =	vmul.f32 v1, v0;
	_ =	sdelay $0x1  }
0x20f: {  	v2 =	vtrunc.f32 v2  }
0x210: {  	s30 =	sor.u32 $0x110, s16;
	v2 =	vcvt.f32.s32 v2  }
0x211: {  	v3 =	vld [tilespmem:s30+$0x0]  }
0x212: {  	vm0 =	vgt.s32 v2, $0x0  }
0x213: {  	v2 =	vnsel vm0, $0x0, v2  }
0x214: {  	v2 =	vmin.u32 v2, $0x1F4  }
0x215: {  	v4 =	vshll.u32 v2, $0x3  }
0x216: {  	v3 =	vmax.f32 v3, $-1.700000000e+01;
	v5 =	vand.u32 $0x7F, v2;
	v4 =	vand.u32 $0xC00, v4  }
0x217: {  	v3 =	vmin.f32 v3, $8.000000000e+00;
	v4 =	vor.u32 v4, v5  }
0x218: {  	v3 =	vadd.f32 $1.700000000e+01, v3;
	v4 =	vor.u32 $0x100, v4;
	_ =	sdelay $0x1  }
0x219: {  	v3 =	vadd.f32 $5.000000070e-02, v3;
	_ =	sdelay $0x1  }
0x21a: {  	v43 =	vmul.f32 v3, v0;
	v2 =	vcvt.s32.f32 v2  }
0x21b: {  	s31 =	sor.u32 $0x120, s16;
	v6 =	vld.idx.msk [tilespmem:v4+s9+$0x0], $0xffff  }
0x21c: {  	v7 =	vld [tilespmem:s31+$0x0];
	v2 =	vmul.f32 $5.000000070e-02, v2;
	v5 =	vtrunc.f32 v43  }
0x21d: {  	v5 =	vcvt.f32.s32 v5;
	v4 =	vld.idx.msk [tilespmem:v4+s8+$0x0], $0xffff  }
0x21e: {  	v1 =	vsub.f32 v1, v2  }
0x21f: {  	vm13 =	vgt.s32 v5, $0x0  }
0x220: {  	v2 =	vnsel vm13, $0x0, v5;
	v1 =	vmul.f32 v1, v6  }
0x221: {  	v44 =	vmax.f32 v7, $-1.700000000e+01;
	v2 =	vmin.u32 v2, $0x1F4  }
0x222: {  	v5 =	vmin.f32 v44, $8.000000000e+00;
	v45 =	vshll.u32 v2, $0x3;
	v1 =	vadd.f32 v1, v4  }
0x223: {  	v5 =	vadd.f32 $1.700000000e+01, v5;
	v46 =	vand.u32 $0x7F, v2;
	v4 =	vand.u32 $0xC00, v45  }
0x224: {  	v4 =	vor.u32 v4, v46;
	v1 =	vsub.f32 $0.0e+00, v1  }
0x225: {  	v5 =	vadd.f32 $5.000000070e-02, v5;
	v4 =	vor.u32 $0x100, v4  }
0x226: {  	v1 =	vmul.f32 $1.442695020e+00, v1  }
0x227: {  	v47 =	vmul.f32 v5, v0  }
0x228: {  	(erf) = vpow2.f32 v1  }
0x229: {  	v1 =	vcvt.s32.f32 v2;
	v2 =	vtrunc.f32 v47  }
0x22a: {  	s18 =	sor.u32 $0x130, s16;
	v48 =	vld.idx.msk [tilespmem:v4+s9+$0x0], $0xffff;
	v2 =	vcvt.f32.s32 v2  }
0x22b: {  	v49 =	vld [tilespmem:s18+$0x0];
	v1 =	vmul.f32 $5.000000070e-02, v1  }
0x22c: {  	v4 =	vld.idx.msk [tilespmem:v4+s8+$0x0], $0xffff;
	vm14 =	vgt.s32 v2, $0x0  }
0x22d: {  	v1 =	vsub.f32 v3, v1;
	v2 =	vnsel vm14, $0x0, v2  }
0x22e: {  	v2 =	vmin.u32 v2, $0x1F4  }
0x22f: {  	v1 =	vmul.f32 v1, v48;
	v3 =	vshll.u32 v2, $0x3  }
0x230: {  	v7 =	vmax.f32 v49, $-1.700000000e+01;
	v50 =	vand.u32 $0x7F, v2;
	v3 =	vand.u32 $0xC00, v3  }
0x231: {  	v51 =	vmin.f32 v7, $8.000000000e+00;
	v1 =	vadd.f32 v1, v4;
	v3 =	vor.u32 v3, v50  }
0x232: {  	v4 =	vadd.f32 $1.700000000e+01, v51;
	v3 =	vor.u32 $0x100, v3  }
0x233: {  	v52 =	vpop (erf);
	v1 =	vsub.f32 $0.0e+00, v1  }
0x234: {  	v6 =	vadd.f32 $1.000000000e+00, v52;
	v4 =	vadd.f32 $5.000000070e-02, v4  }
0x235: {  	s19 =	sor.u32 $0x140, s16;
	v2 =	vcvt.s32.f32 v2;
	v1 =	vmul.f32 $1.442695020e+00, v1  }
0x236: {  	v54 =	vld [tilespmem:s19+$0x0];
	(erf) = vrcp.f32 v6;
	v53 =	vmul.f32 v4, v0  }
0x237: {  	(erf) = vpow2.f32 v1;
	v1 =	vld.idx.msk [tilespmem:v3+s9+$0x0], $0xffff  }
0x238: {  	v2 =	vmul.f32 $5.000000070e-02, v2;
	v6 =	vtrunc.f32 v53  }
0x239: {  	v6 =	vcvt.f32.s32 v6  }
0x23a: {  	v2 =	vsub.f32 v5, v2;
	v3 =	vld.idx.msk [tilespmem:v3+s8+$0x0], $0xffff  }
0x23b: {  	vm15 =	vgt.s32 v6, $0x0  }
0x23c: {  	v55 =	vmax.f32 v54, $-1.700000000e+01;
	v1 =	vmul.f32 v2, v1;
	v2 =	vnsel vm15, $0x0, v6  }
0x23d: {  	v5 =	vmin.f32 v55, $8.000000000e+00;
	v2 =	vmin.u32 v2, $0x1F4  }
0x23e: {  	v5 =	vadd.f32 $1.700000000e+01, v5;
	v56 =	vshll.u32 v2, $0x3  }
0x23f: {  	v3 =	vadd.f32 v1, v3;
	v57 =	vand.u32 $0x7F, v2;
	v6 =	vand.u32 $0xC00, v56  }
0x240: {  	v1 =	vpop (erf);
	v6 =	vor.u32 v6, v57  }
0x241: {  	v5 =	vadd.f32 $5.000000070e-02, v5;
	v3 =	vsub.f32 $0.0e+00, v3;
	v8 =	vpop (erf);
	v6 =	vor.u32 $0x100, v6  }
0x242: {  	v58 =	vadd.f32 $1.000000000e+00, v8  }
0x243: {  	v59 =	vmul.f32 v5, v0;
	v3 =	vmul.f32 $1.442695020e+00, v3  }
0x244: {  	v2 =	vcvt.s32.f32 v2;
	(erf) = vrcp.f32 v58  }
0x245: {  	(erf) = vpow2.f32 v3;
	v3 =	vtrunc.f32 v59  }
0x246: {  	s20 =	sor.u32 $0x150, s16;
	v60 =	vld.idx.msk [tilespmem:v6+s9+$0x0], $0xffff;
	v3 =	vcvt.f32.s32 v3  }
0x247: {  	v61 =	vld [tilespmem:s20+$0x0];
	v2 =	vmul.f32 $5.000000070e-02, v2  }
0x248: {  	vm4 =	vgt.s32 v3, $0x0  }
0x249: {  	v2 =	vsub.f32 v4, v2;
	v6 =	vld.idx.msk [tilespmem:v6+s8+$0x0], $0xffff;
	v3 =	vnsel vm4, $0x0, v3  }
0x24a: {  	v3 =	vmin.u32 v3, $0x1F4  }
0x24b: {  	v4 =	vmul.f32 v2, v60;
	v2 =	vshll.u32 v3, $0x3  }
0x24c: {  	v8 =	vmax.f32 v61, $-1.700000000e+01;
	v62 =	vand.u32 $0x7F, v3;
	v9 =	vand.u32 $0xC00, v2  }
0x24d: {  	v12 =	vmin.f32 v8, $8.000000000e+00;
	v63 =	vor.u32 v9, v62  }
0x24e: {  	v7 =	vadd.f32 $1.700000000e+01, v12;
	v4 =	vadd.f32 v4, v6;
	v6 =	vor.u32 $0x100, v63  }
0x24f: {  	v2 =	vpop (erf)  }
0x250: {  	s21 =	sor.u32 $0x160, s16;
	v7 =	vadd.f32 $5.000000070e-02, v7;
	v13 =	vpop (erf);
	v4 =	vsub.f32 $0.0e+00, v4  }
0x251: {  	v16 =	vld [tilespmem:s21+$0x0];
	v3 =	vcvt.s32.f32 v3;
	v8 =	vadd.f32 $1.000000000e+00, v13  }
0x252: {  	v14 =	vmul.f32 v7, v0;
	v4 =	vmul.f32 $1.442695020e+00, v4  }
0x253: {  	v3 =	vmul.f32 $5.000000070e-02, v3;
	(erf) = vrcp.f32 v8;
	v15 =	vld.idx.msk [tilespmem:v6+s9+$0x0], $0xffff  }
0x254: {  	v8 =	vtrunc.f32 v14;
	(erf) = vpow2.f32 v4  }
0x255: {  	v8 =	vcvt.f32.s32 v8  }
0x256: {  	v18 =	vmax.f32 v16, $-1.700000000e+01;
	v3 =	vsub.f32 v5, v3;
	v6 =	vld.idx.msk [tilespmem:v6+s8+$0x0], $0xffff  }
0x257: {  	v5 =	vmin.f32 v18, $8.000000000e+00;
	vm5 =	vgt.s32 v8, $0x0  }
0x258: {  	v5 =	vadd.f32 $1.700000000e+01, v5;
	v17 =	vnsel vm5, $0x0, v8;
	v3 =	vmul.f32 v3, v15  }
0x259: {  	v4 =	vmin.u32 v17, $0x1F4  }
0x25a: {  	v5 =	vadd.f32 $5.000000070e-02, v5;
	v19 =	vshll.u32 v4, $0x3  }
0x25b: {  	v20 =	vand.u32 $0x7F, v4;
	v8 =	vand.u32 $0xC00, v19;
	v6 =	vadd.f32 v3, v6  }
0x25c: {  	v8 =	vor.u32 v8, v20;
	v3 =	vpop (erf)  }
0x25d: {  	v22 =	vmul.f32 v5, v0;
	v8 =	vor.u32 $0x100, v8;
	v6 =	vsub.f32 $0.0e+00, v6;
	v10 =	vpop (erf)  }
0x25e: {  	v21 =	vadd.f32 $1.000000000e+00, v10  }
0x25f: {  	v23 =	vtrunc.f32 v22;
	v6 =	vmul.f32 $1.442695020e+00, v6  }
0x260: {  	s22 =	sor.u32 $0x170, s16;
	v4 =	vcvt.s32.f32 v4;
	(erf) = vrcp.f32 v21  }
0x261: {  	v25 =	vld [tilespmem:s22+$0x0];
	(erf) = vpow2.f32 v6;
	v6 =	vcvt.f32.s32 v23  }
0x262: {  	v24 =	vld.idx.msk [tilespmem:v8+s9+$0x0], $0xffff  }
0x263: {  	v4 =	vmul.f32 $5.000000070e-02, v4;
	vm6 =	vgt.s32 v6, $0x0  }
0x264: {  	v8 =	vld.idx.msk [tilespmem:v8+s8+$0x0], $0xffff;
	v6 =	vnsel vm6, $0x0, v6  }
0x265: {  	v4 =	vsub.f32 v7, v4;
	v6 =	vmin.u32 v6, $0x1F4  }
0x266: {  	v10 =	vmax.f32 v25, $-1.700000000e+01;
	v26 =	vshll.u32 v6, $0x3  }
0x267: {  	v7 =	vmul.f32 v4, v24;
	v27 =	vand.u32 $0x7F, v6;
	v11 =	vand.u32 $0xC00, v26  }
0x268: {  	v29 =	vmin.f32 v10, $8.000000000e+00;
	v28 =	vor.u32 v11, v27  }
0x269: {  	v9 =	vadd.f32 $1.700000000e+01, v29;
	v7 =	vadd.f32 v7, v8;
	v8 =	vor.u32 $0x100, v28  }
0x26a: {  	v4 =	vpop (erf)  }
0x26b: {  	v9 =	vadd.f32 $5.000000070e-02, v9;
	v7 =	vsub.f32 $0.0e+00, v7;
	v30 =	vpop (erf)  }
0x26c: {  	s23 =	sor.u32 $0x300, s16;
	v6 =	vcvt.s32.f32 v6;
	v10 =	vadd.f32 $1.000000000e+00, v30  }
0x26d: {  	v33 =	vld [tilespmem:s23+$0x0];
	v31 =	vmul.f32 v9, v0;
	v7 =	vmul.f32 $1.442695020e+00, v7  }
0x26e: {  	v6 =	vmul.f32 $5.000000070e-02, v6;
	(erf) = vrcp.f32 v10;
	v32 =	vld.idx.msk [tilespmem:v8+s9+$0x0], $0xffff  }
0x26f: {  	v10 =	vtrunc.f32 v31;
	(erf) = vpow2.f32 v7  }
0x270: {  	v10 =	vcvt.f32.s32 v10  }
0x271: {  	v5 =	vsub.f32 v5, v6;
	v8 =	vld.idx.msk [tilespmem:v8+s8+$0x0], $0xffff  }
0x272: {  	vm7 =	vgt.s32 v10, $0x0  }
0x273: {  	v35 =	vmax.f32 v33, $-1.700000000e+01;
	v34 =	vnsel vm7, $0x0, v10;
	v5 =	vmul.f32 v5, v32  }
0x274: {  	v7 =	vmin.f32 v35, $8.000000000e+00;
	v6 =	vmin.u32 v34, $0x1F4  }
0x275: {  	v7 =	vadd.f32 $1.700000000e+01, v7;
	v36 =	vshll.u32 v6, $0x3  }
0x276: {  	v37 =	vand.u32 $0x7F, v6;
	v10 =	vand.u32 $0xC00, v36;
	v8 =	vadd.f32 v5, v8  }
0x277: {  	v7 =	vadd.f32 $5.000000070e-02, v7;
	v10 =	vor.u32 v10, v37;
	v5 =	vpop (erf)  }
0x278: {  	v10 =	vor.u32 $0x100, v10;
	v8 =	vsub.f32 $0.0e+00, v8;
	v12 =	vpop (erf)  }
0x279: {  	v39 =	vmul.f32 v7, v0;
	v38 =	vadd.f32 $1.000000000e+00, v12  }
0x27a: {  	s24 =	sor.u32 $0x310, s16;
	v6 =	vcvt.s32.f32 v6;
	v8 =	vmul.f32 $1.442695020e+00, v8  }
0x27b: {  	v42 =	vld [tilespmem:s24+$0x0];
	v40 =	vtrunc.f32 v39;
	(erf) = vrcp.f32 v38  }
0x27c: {  	(erf) = vpow2.f32 v8;
	v8 =	vcvt.f32.s32 v40  }
0x27d: {  	v41 =	vld.idx.msk [tilespmem:v10+s9+$0x0], $0xffff  }
0x27e: {  	v6 =	vmul.f32 $5.000000070e-02, v6;
	vm8 =	vgt.s32 v8, $0x0  }
0x27f: {  	v10 =	vld.idx.msk [tilespmem:v10+s8+$0x0], $0xffff;
	v8 =	vnsel vm8, $0x0, v8  }
0x280: {  	v6 =	vsub.f32 v9, v6;
	v12 =	vmax.f32 v42, $-1.700000000e+01;
	v8 =	vmin.u32 v8, $0x1F4  }
0x281: {  	v46 =	vmin.f32 v12, $8.000000000e+00;
	v43 =	vshll.u32 v8, $0x3  }
0x282: {  	v9 =	vmul.f32 v6, v41;
	v44 =	vand.u32 $0x7F, v8;
	v13 =	vand.u32 $0xC00, v43  }
0x283: {  	v11 =	vadd.f32 $1.700000000e+01, v46;
	v45 =	vor.u32 v13, v44  }
0x284: {  	v9 =	vadd.f32 v9, v10;
	v10 =	vor.u32 $0x100, v45  }
0x285: {  	v11 =	vadd.f32 $5.000000070e-02, v11;
	v6 =	vpop (erf)  }
0x286: {  	v8 =	vcvt.s32.f32 v8;
	v9 =	vsub.f32 $0.0e+00, v9;
	v47 =	vpop (erf)  }
0x287: {  	s25 =	sor.u32 $0x320, s16;
	v48 =	vmul.f32 v11, v0;
	v12 =	vadd.f32 $1.000000000e+00, v47  }
0x288: {  	v50 =	vld [tilespmem:s25+$0x0];
	v8 =	vmul.f32 $5.000000070e-02, v8;
	v9 =	vmul.f32 $1.442695020e+00, v9  }
0x289: {  	(erf) = vrcp.f32 v12;
	v12 =	vtrunc.f32 v48;
	v49 =	vld.idx.msk [tilespmem:v10+s9+$0x0], $0xffff  }
0x28a: {  	(erf) = vpow2.f32 v9;
	v12 =	vcvt.f32.s32 v12;
	_ =	sdelay $0x1  }
0x28b: {  	v7 =	vsub.f32 v7, v8;
	v10 =	vld.idx.msk [tilespmem:v10+s8+$0x0], $0xffff;
	vm9 =	vgt.s32 v12, $0x0  }
0x28c: {  	v51 =	vnsel vm9, $0x0, v12  }
0x28d: {  	v52 =	vmax.f32 v50, $-1.700000000e+01;
	v8 =	vmin.u32 v51, $0x1F4;
	v7 =	vmul.f32 v7, v49  }
0x28e: {  	v9 =	vmin.f32 v52, $8.000000000e+00;
	v53 =	vshll.u32 v8, $0x3  }
0x28f: {  	v9 =	vadd.f32 $1.700000000e+01, v9;
	v54 =	vand.u32 $0x7F, v8;
	v12 =	vand.u32 $0xC00, v53  }
0x290: {  	v10 =	vadd.f32 v7, v10;
	v12 =	vor.u32 v12, v54  }
0x291: {  	v9 =	vadd.f32 $5.000000070e-02, v9;
	v12 =	vor.u32 $0x100, v12;
	v7 =	vpop (erf)  }
0x292: {  	v10 =	vsub.f32 $0.0e+00, v10;
	v14 =	vpop (erf)  }
0x293: {  	v56 =	vmul.f32 v9, v0;
	v55 =	vadd.f32 $1.000000000e+00, v14  }
0x294: {  	s26 =	sor.u32 $0x330, s16;
	v8 =	vcvt.s32.f32 v8;
	v10 =	vmul.f32 $1.442695020e+00, v10  }
0x295: {  	v59 =	vld [tilespmem:s26+$0x0];
	v57 =	vtrunc.f32 v56;
	(erf) = vrcp.f32 v55  }
0x296: {  	v58 =	vld.idx.msk [tilespmem:v12+s9+$0x0], $0xffff;
	(erf) = vpow2.f32 v10;
	v10 =	vcvt.f32.s32 v57  }
0x297: {  	v8 =	vmul.f32 $5.000000070e-02, v8  }
0x298: {  	v12 =	vld.idx.msk [tilespmem:v12+s8+$0x0], $0xffff;
	vm10 =	vgt.s32 v10, $0x0  }
0x299: {  	v8 =	vsub.f32 v11, v8;
	v10 =	vnsel vm10, $0x0, v10  }
0x29a: {  	v14 =	vmax.f32 v59, $-1.700000000e+01;
	v10 =	vmin.u32 v10, $0x1F4  }
0x29b: {  	v63 =	vmin.f32 v14, $8.000000000e+00;
	v11 =	vmul.f32 v8, v58;
	v60 =	vshll.u32 v10, $0x3  }
0x29c: {  	v13 =	vadd.f32 $1.700000000e+01, v63;
	v61 =	vand.u32 $0x7F, v10;
	v15 =	vand.u32 $0xC00, v60  }
0x29d: {  	v11 =	vadd.f32 v11, v12;
	v62 =	vor.u32 v15, v61  }
0x29e: {  	v13 =	vadd.f32 $5.000000070e-02, v13;
	v8 =	vpop (erf);
	v12 =	vor.u32 $0x100, v62  }
0x29f: {  	v11 =	vsub.f32 $0.0e+00, v11;
	v16 =	vpop (erf)  }
0x2a0: {  	v17 =	vmul.f32 v13, v0;
	v14 =	vadd.f32 $1.000000000e+00, v16  }
0x2a1: {  	s28 =	sor.u32 $0x340, s16;
	v10 =	vcvt.s32.f32 v10;
	v11 =	vmul.f32 $1.442695020e+00, v11  }
0x2a2: {  	v19 =	vld [tilespmem:s28+$0x0];
	(erf) = vrcp.f32 v14;
	v14 =	vtrunc.f32 v17  }
0x2a3: {  	(erf) = vpow2.f32 v11;
	v18 =	vld.idx.msk [tilespmem:v12+s9+$0x0], $0xffff;
	v14 =	vcvt.f32.s32 v14  }
0x2a4: {  	v10 =	vmul.f32 $5.000000070e-02, v10  }
0x2a5: {  	v12 =	vld.idx.msk [tilespmem:v12+s8+$0x0], $0xffff;
	vm11 =	vgt.s32 v14, $0x0  }
0x2a6: {  	v9 =	vsub.f32 v9, v10;
	v20 =	vnsel vm11, $0x0, v14  }
0x2a7: {  	v21 =	vmax.f32 v19, $-1.700000000e+01;
	v10 =	vmin.u32 v20, $0x1F4  }
0x2a8: {  	v11 =	vmin.f32 v21, $8.000000000e+00;
	v9 =	vmul.f32 v9, v18;
	v22 =	vshll.u32 v10, $0x3  }
0x2a9: {  	v11 =	vadd.f32 $1.700000000e+01, v11;
	v24 =	vand.u32 $0x7F, v10;
	v14 =	vand.u32 $0xC00, v22  }
0x2aa: {  	v12 =	vadd.f32 v9, v12;
	v14 =	vor.u32 v14, v24  }
0x2ab: {  	v11 =	vadd.f32 $5.000000070e-02, v11;
	v23 =	vpop (erf);
	v14 =	vor.u32 $0x100, v14  }
0x2ac: {  	v16 =	vpop (erf);
	v12 =	vsub.f32 $0.0e+00, v12  }
0x2ad: {  	v26 =	vmul.f32 v11, v0;
	v25 =	vadd.f32 $1.000000000e+00, v16  }
0x2ae: {  	s29 =	sor.u32 $0x350, s16;
	v10 =	vcvt.s32.f32 v10;
	v12 =	vmul.f32 $1.442695020e+00, v12  }
0x2af: {  	v29 =	vld [tilespmem:s29+$0x0];
	v27 =	vtrunc.f32 v26;
	(erf) = vrcp.f32 v25  }
0x2b0: {  	(erf) = vpow2.f32 v12;
	v28 =	vld.idx.msk [tilespmem:v14+s9+$0x0], $0xffff;
	v12 =	vcvt.f32.s32 v27  }
0x2b1: {  	v10 =	vmul.f32 $5.000000070e-02, v10  }
0x2b2: {  	v14 =	vld.idx.msk [tilespmem:v14+s8+$0x0], $0xffff;
	vm12 =	vgt.s32 v12, $0x0  }
0x2b3: {  	v10 =	vsub.f32 v13, v10;
	v12 =	vnsel vm12, $0x0, v12  }
0x2b4: {  	v12 =	vmin.u32 v12, $0x1F4  }
0x2b5: {  	v16 =	vmax.f32 v29, $-1.700000000e+01;
	v10 =	vmul.f32 v10, v28;
	v30 =	vshll.u32 v12, $0x3  }
0x2b6: {  	v32 =	vmin.f32 v16, $8.000000000e+00;
	v31 =	vand.u32 $0x7F, v12;
	v13 =	vand.u32 $0xC00, v30  }
0x2b7: {  	v10 =	vadd.f32 v10, v14;
	v13 =	vor.u32 v13, v31;
	v14 =	vadd.f32 $1.700000000e+01, v32  }
0x2b8: {  	v13 =	vor.u32 $0x100, v13  }
0x2b9: {  	v17 =	vpop (erf);
	v14 =	vadd.f32 $5.000000070e-02, v14  }
0x2ba: {  	v12 =	vcvt.s32.f32 v12;
	v33 =	vpop (erf);
	v10 =	vsub.f32 $0.0e+00, v10  }
0x2bb: {  	s30 =	sor.u32 $0x360, s16;
	v15 =	vadd.f32 $1.000000000e+00, v33;
	v34 =	vmul.f32 v14, v0  }
0x2bc: {  	v36 =	vld [tilespmem:s30+$0x0];
	v12 =	vmul.f32 $5.000000070e-02, v12;
	v10 =	vmul.f32 $1.442695020e+00, v10  }
0x2bd: {  	(erf) = vrcp.f32 v15;
	v35 =	vld.idx.msk [tilespmem:v13+s9+$0x0], $0xffff;
	v15 =	vtrunc.f32 v34  }
0x2be: {  	(erf) = vpow2.f32 v10;
	v15 =	vcvt.f32.s32 v15  }
0x2bf: {  	v13 =	vld.idx.msk [tilespmem:v13+s8+$0x0], $0xffff  }
0x2c0: {  	v11 =	vsub.f32 v11, v12;
	vm13 =	vgt.s32 v15, $0x0  }
0x2c1: {  	v38 =	vmax.f32 v36, $-1.700000000e+01;
	v37 =	vnsel vm13, $0x0, v15  }
0x2c2: {  	v12 =	vmin.f32 v38, $8.000000000e+00;
	v10 =	vmul.f32 v11, v35;
	v11 =	vmin.u32 v37, $0x1F4  }
0x2c3: {  	v12 =	vadd.f32 $1.700000000e+01, v12;
	v39 =	vshll.u32 v11, $0x3  }
0x2c4: {  	v41 =	vand.u32 $0x7F, v11;
	v10 =	vadd.f32 v10, v13;
	v13 =	vand.u32 $0xC00, v39  }
0x2c5: {  	v12 =	vadd.f32 $5.000000070e-02, v12;
	v13 =	vor.u32 v13, v41  }
0x2c6: {  	v40 =	vpop (erf);
	v13 =	vor.u32 $0x100, v13  }
0x2c7: {  	v43 =	vmul.f32 v12, v0;
	v18 =	vpop (erf);
	v10 =	vsub.f32 $0.0e+00, v10  }
0x2c8: {  	v42 =	vadd.f32 $1.000000000e+00, v18  }
0x2c9: {  	s31 =	sor.u32 $0x370, s16;
	v45 =	vtrunc.f32 v43;
	v10 =	vmul.f32 $1.442695020e+00, v10  }
0x2ca: {  	v46 =	vld [tilespmem:s31+$0x0];
	v44 =	vcvt.s32.f32 v11;
	(erf) = vrcp.f32 v42  }
0x2cb: {  	v11 =	vcvt.f32.s32 v45;
	(erf) = vpow2.f32 v10;
	v47 =	vld.idx.msk [tilespmem:v13+s9+$0x0], $0xffff  }
0x2cc: {  	v10 =	vmul.f32 $5.000000070e-02, v44  }
0x2cd: {  	vm14 =	vgt.s32 v11, $0x0;
	v13 =	vld.idx.msk [tilespmem:v13+s8+$0x0], $0xffff  }
0x2ce: {  	v11 =	vnsel vm14, $0x0, v11;
	v10 =	vsub.f32 v14, v10  }
0x2cf: {  	v48 =	vmax.f32 v46, $-1.700000000e+01;
	v11 =	vmin.u32 v11, $0x1F4  }
0x2d0: {  	v49 =	vshll.u32 v11, $0x3;
	v14 =	vmin.f32 v48, $8.000000000e+00;
	v10 =	vmul.f32 v10, v47  }
0x2d1: {  	v50 =	vand.u32 $0x7F, v11;
	v16 =	vand.u32 $0xC00, v49;
	v14 =	vadd.f32 $1.700000000e+01, v14  }
0x2d2: {  	v51 =	vor.u32 v16, v50;
	v10 =	vadd.f32 v10, v13  }
0x2d3: {  	v14 =	vadd.f32 $5.000000070e-02, v14;
	v19 =	vpop (erf);
	v13 =	vor.u32 $0x100, v51  }
0x2d4: {  	v52 =	vpop (erf);
	v10 =	vsub.f32 $0.0e+00, v10  }
0x2d5: {  	v53 =	vmul.f32 v14, v0;
	v16 =	vadd.f32 $1.000000000e+00, v52  }
0x2d6: {  	v11 =	vcvt.s32.f32 v11;
	v10 =	vmul.f32 $1.442695020e+00, v10  }
0x2d7: {  	v54 =	vtrunc.f32 v53;
	(erf) = vrcp.f32 v16  }
0x2d8: {  	v16 =	vcvt.f32.s32 v54;
	v55 =	vld.idx.msk [tilespmem:v13+s9+$0x0], $0xffff;
	(erf) = vpow2.f32 v10  }
0x2d9: {  	v11 =	vmul.f32 $5.000000070e-02, v11  }
0x2da: {  	v13 =	vld.idx.msk [tilespmem:v13+s8+$0x0], $0xffff;
	vm15 =	vgt.s32 v16, $0x0  }
0x2db: {  	v11 =	vsub.f32 v12, v11;
	v56 =	vnsel vm15, $0x0, v16  }
0x2dc: {  	v12 =	vmin.u32 v56, $0x1F4  }
0x2dd: {  	v57 =	vshll.u32 v12, $0x3;
	v10 =	vmul.f32 v11, v55  }
0x2de: {  	v58 =	vand.u32 $0x7F, v12;
	v11 =	vand.u32 $0xC00, v57  }
0x2df: {  	v11 =	vor.u32 v11, v58;
	v10 =	vadd.f32 v10, v13  }
0x2e0: {  	v11 =	vor.u32 $0x100, v11;
	v59 =	vpop (erf)  }
0x2e1: {  	v10 =	vsub.f32 $0.0e+00, v10;
	v60 =	vpop (erf)  }
0x2e2: {  	v16 =	vadd.f32 $1.000000000e+00, v60  }
0x2e3: {  	v10 =	vmul.f32 $1.442695020e+00, v10  }
0x2e4: {  	v12 =	vcvt.s32.f32 v12;
	(erf) = vrcp.f32 v16  }
0x2e5: {  	v61 =	vld.idx.msk [tilespmem:v11+s9+$0x0], $0xffff;
	(erf) = vpow2.f32 v10  }
0x2e6: {  	v12 =	vmul.f32 $5.000000070e-02, v12  }
0x2e7: {  	v11 =	vld.idx.msk [tilespmem:v11+s8+$0x0], $0xffff  }
0x2e8: {  	v12 =	vsub.f32 v14, v12;
	_ =	sdelay $0x1  }
0x2e9: {  	v10 =	vmul.f32 v12, v61;
	_ =	sdelay $0x1  }
0x2ea: {  	v10 =	vadd.f32 v10, v11  }
0x2eb: {  	v62 =	vpop (erf)  }
0x2ec: {  	v10 =	vsub.f32 $0.0e+00, v10;
	v63 =	vpop (erf)  }
0x2ed: {  	v12 =	vadd.f32 $1.000000000e+00, v63  }
0x2ee: {  	v10 =	vmul.f32 $1.442695020e+00, v10  }
0x2ef: {  	(erf) = vrcp.f32 v12  }
0x2f0: {  	(erf) = vpow2.f32 v10;
	_ =	sdelay $0x6  }
0x2f1: {  	[tilespmem:s16+$0x2900] =	vst v1  }
0x2f2: {  	[tilespmem:s16+$0x2910] =	vst v2;
	v1 =	vpop (erf)  }
0x2f3: {  	[tilespmem:s16+$0x2920] =	vst v3;
	v2 =	vpop (erf)  }
0x2f4: {  	[tilespmem:s16+$0x2930] =	vst v4;
	v2 =	vadd.f32 $1.000000000e+00, v2  }
0x2f5: {  	[tilespmem:s16+$0x2940] =	vst v5  }
0x2f6: {  	[tilespmem:s16+$0x2950] =	vst v6;
	(erf) = vrcp.f32 v2  }
0x2f7: {  	[tilespmem:s16+$0x2960] =	vst v7  }
0x2f8: {  	[tilespmem:s16+$0x2970] =	vst v8  }
0x2f9: {  	[tilespmem:s16+$0x2B00] =	vst v23  }
0x2fa: {  	[tilespmem:s16+$0x2B10] =	vst v17  }
0x2fb: {  	p2 =	por p1, p1;
	[tilespmem:s16+$0x2B20] =	vst v40  }
.Ltmp2:
0x2fc: {  	[tilespmem:s16+$0x2B30] =	vst v19;
	(pc) =	sbr.rel @p2 .LBB2_6-.Ltmp2, $4  }
0x2fd: {  	[tilespmem:s16+$0x2B40] =	vst v59  }
0x2fe: {  	[tilespmem:s16+$0x2B50] =	vst v62  }
0x2ff: {  	[tilespmem:s16+$0x2B60] =	vst v1;
	v1 =	vpop (erf)  }
0x300: {  	p1 =	por $0x0, $0x0;
	s17 =	simm.s32 $0x0;
	[tilespmem:s16+$0x2B70] =	vst v1;
	s16 =	simm.s32 $0x400  }
.LBB2_7:
0x301: {  	s16 =	sor.u32 $0x180, s17  }
0x302: {  	v1 =	vld [tilespmem:s16+$0x0];
	_ =	sdelay $0x4  }
0x303: {  	v1 =	vmax.f32 v1, $-1.700000000e+01  }
0x304: {  	v1 =	vmin.f32 v1, $8.000000000e+00  }
0x305: {  	v1 =	vadd.f32 $1.700000000e+01, v1;
	_ =	sdelay $0x1  }
0x306: {  	v1 =	vadd.f32 $5.000000070e-02, v1;
	_ =	sdelay $0x1  }
0x307: {  	v2 =	vmul.f32 v1, v0;
	_ =	sdelay $0x1  }
0x308: {  	v2 =	vtrunc.f32 v2  }
0x309: {  	s30 =	sor.u32 $0x190, s17;
	v2 =	vcvt.f32.s32 v2  }
0x30a: {  	v3 =	vld [tilespmem:s30+$0x0]  }
0x30b: {  	vm0 =	vgt.s32 v2, $0x0  }
0x30c: {  	v2 =	vnsel vm0, $0x0, v2  }
0x30d: {  	v2 =	vmin.u32 v2, $0x1F4  }
0x30e: {  	v4 =	vshll.u32 v2, $0x3  }
0x30f: {  	v3 =	vmax.f32 v3, $-1.700000000e+01;
	v4 =	vand.u32 $0xC00, v4  }
0x310: {  	v3 =	vmin.f32 v3, $8.000000000e+00;
	v4 =	vor.u32 v4, v2  }
0x311: {  	v3 =	vadd.f32 $1.700000000e+01, v3;
	v4 =	vor.u32 $0x180, v4;
	_ =	sdelay $0x1  }
0x312: {  	v3 =	vadd.f32 $5.000000070e-02, v3;
	_ =	sdelay $0x1  }
0x313: {  	v5 =	vmul.f32 v3, v0;
	v2 =	vcvt.s32.f32 v2  }
0x314: {  	s31 =	sor.u32 $0x1A0, s17;
	v6 =	vld.idx.msk [tilespmem:v4+s9+$0x0], $0xffff  }
0x315: {  	v7 =	vld [tilespmem:s31+$0x0];
	v5 =	vtrunc.f32 v5;
	v2 =	vmul.f32 $5.000000070e-02, v2  }
0x316: {  	v5 =	vcvt.f32.s32 v5;
	v4 =	vld.idx.msk [tilespmem:v4+s8+$0x0], $0xffff  }
0x317: {  	v1 =	vsub.f32 v1, v2  }
0x318: {  	vm13 =	vgt.s32 v5, $0x0  }
0x319: {  	v2 =	vnsel vm13, $0x0, v5;
	v1 =	vmul.f32 v1, v6  }
0x31a: {  	v11 =	vmax.f32 v7, $-1.700000000e+01;
	v2 =	vmin.u32 v2, $0x1F4  }
0x31b: {  	v5 =	vmin.f32 v11, $8.000000000e+00;
	v12 =	vshll.u32 v2, $0x3;
	v1 =	vadd.f32 v1, v4  }
0x31c: {  	v5 =	vadd.f32 $1.700000000e+01, v5;
	v4 =	vand.u32 $0xC00, v12  }
0x31d: {  	v4 =	vor.u32 v4, v2;
	v1 =	vsub.f32 $0.0e+00, v1  }
0x31e: {  	v5 =	vadd.f32 $5.000000070e-02, v5;
	v4 =	vor.u32 $0x180, v4  }
0x31f: {  	v1 =	vmul.f32 $1.442695020e+00, v1  }
0x320: {  	v13 =	vmul.f32 v5, v0  }
0x321: {  	(erf) = vpow2.f32 v1  }
0x322: {  	v1 =	vcvt.s32.f32 v2;
	v2 =	vtrunc.f32 v13  }
0x323: {  	s18 =	sor.u32 $0x1B0, s17;
	v14 =	vld.idx.msk [tilespmem:v4+s9+$0x0], $0xffff;
	v2 =	vcvt.f32.s32 v2  }
0x324: {  	v15 =	vld [tilespmem:s18+$0x0];
	v1 =	vmul.f32 $5.000000070e-02, v1  }
0x325: {  	v4 =	vld.idx.msk [tilespmem:v4+s8+$0x0], $0xffff;
	vm14 =	vgt.s32 v2, $0x0  }
0x326: {  	v1 =	vsub.f32 v3, v1;
	v2 =	vnsel vm14, $0x0, v2  }
0x327: {  	v2 =	vmin.u32 v2, $0x1F4  }
0x328: {  	v1 =	vmul.f32 v1, v14;
	v3 =	vshll.u32 v2, $0x3  }
0x329: {  	v16 =	vmax.f32 v15, $-1.700000000e+01;
	v3 =	vand.u32 $0xC00, v3  }
0x32a: {  	v17 =	vmin.f32 v16, $8.000000000e+00;
	v1 =	vadd.f32 v1, v4;
	v3 =	vor.u32 v3, v2  }
0x32b: {  	v4 =	vadd.f32 $1.700000000e+01, v17;
	v3 =	vor.u32 $0x180, v3  }
0x32c: {  	v18 =	vpop (erf);
	v1 =	vsub.f32 $0.0e+00, v1  }
0x32d: {  	v6 =	vadd.f32 $1.000000000e+00, v18;
	v4 =	vadd.f32 $5.000000070e-02, v4  }
0x32e: {  	v2 =	vcvt.s32.f32 v2;
	v1 =	vmul.f32 $1.442695020e+00, v1  }
0x32f: {  	(erf) = vrcp.f32 v6;
	v19 =	vmul.f32 v4, v0  }
0x330: {  	s19 =	sor.u32 $0x1C0, s17;
	(erf) = vpow2.f32 v1;
	v1 =	vld.idx.msk [tilespmem:v3+s9+$0x0], $0xffff  }
0x331: {  	v20 =	vld [tilespmem:s19+$0x0];
	v2 =	vmul.f32 $5.000000070e-02, v2;
	v6 =	vtrunc.f32 v19  }
0x332: {  	v6 =	vcvt.f32.s32 v6  }
0x333: {  	v2 =	vsub.f32 v5, v2;
	v3 =	vld.idx.msk [tilespmem:v3+s8+$0x0], $0xffff  }
0x334: {  	vm15 =	vgt.s32 v6, $0x0  }
0x335: {  	v1 =	vmul.f32 v2, v1;
	v2 =	vnsel vm15, $0x0, v6  }
0x336: {  	v21 =	vmax.f32 v20, $-1.700000000e+01;
	v2 =	vmin.u32 v2, $0x1F4  }
0x337: {  	v5 =	vmin.f32 v21, $8.000000000e+00;
	v22 =	vshll.u32 v2, $0x3  }
0x338: {  	v5 =	vadd.f32 $1.700000000e+01, v5;
	v3 =	vadd.f32 v1, v3;
	v6 =	vand.u32 $0xC00, v22  }
0x339: {  	v1 =	vpop (erf);
	v6 =	vor.u32 v6, v2  }
0x33a: {  	v5 =	vadd.f32 $5.000000070e-02, v5;
	v3 =	vsub.f32 $0.0e+00, v3;
	v23 =	vpop (erf);
	v6 =	vor.u32 $0x180, v6  }
0x33b: {  	v7 =	vadd.f32 $1.000000000e+00, v23  }
0x33c: {  	v24 =	vmul.f32 v5, v0;
	v3 =	vmul.f32 $1.442695020e+00, v3  }
0x33d: {  	v2 =	vcvt.s32.f32 v2;
	(erf) = vrcp.f32 v7  }
0x33e: {  	(erf) = vpow2.f32 v3;
	v3 =	vtrunc.f32 v24  }
0x33f: {  	s20 =	sor.u32 $0x1D0, s17;
	v25 =	vld.idx.msk [tilespmem:v6+s9+$0x0], $0xffff;
	v3 =	vcvt.f32.s32 v3  }
0x340: {  	v8 =	vld [tilespmem:s20+$0x0];
	v2 =	vmul.f32 $5.000000070e-02, v2  }
0x341: {  	vm4 =	vgt.s32 v3, $0x0  }
0x342: {  	v2 =	vsub.f32 v4, v2;
	v6 =	vld.idx.msk [tilespmem:v6+s8+$0x0], $0xffff;
	v3 =	vnsel vm4, $0x0, v3  }
0x343: {  	v3 =	vmin.u32 v3, $0x1F4  }
0x344: {  	v4 =	vmul.f32 v2, v25;
	v2 =	vshll.u32 v3, $0x3  }
0x345: {  	v8 =	vmax.f32 v8, $-1.700000000e+01;
	v26 =	vand.u32 $0xC00, v2  }
0x346: {  	v28 =	vmin.f32 v8, $8.000000000e+00;
	v27 =	vor.u32 v26, v3  }
0x347: {  	v7 =	vadd.f32 $1.700000000e+01, v28;
	v4 =	vadd.f32 v4, v6;
	v6 =	vor.u32 $0x180, v27  }
0x348: {  	v2 =	vpop (erf)  }
0x349: {  	v7 =	vadd.f32 $5.000000070e-02, v7;
	v29 =	vpop (erf);
	v4 =	vsub.f32 $0.0e+00, v4  }
0x34a: {  	s21 =	sor.u32 $0x1E0, s17;
	v3 =	vcvt.s32.f32 v3;
	v8 =	vadd.f32 $1.000000000e+00, v29  }
0x34b: {  	v9 =	vld [tilespmem:s21+$0x0];
	v30 =	vmul.f32 v7, v0;
	v4 =	vmul.f32 $1.442695020e+00, v4  }
0x34c: {  	v3 =	vmul.f32 $5.000000070e-02, v3;
	(erf) = vrcp.f32 v8;
	v31 =	vld.idx.msk [tilespmem:v6+s9+$0x0], $0xffff  }
0x34d: {  	v8 =	vtrunc.f32 v30;
	(erf) = vpow2.f32 v4  }
0x34e: {  	v8 =	vcvt.f32.s32 v8  }
0x34f: {  	v3 =	vsub.f32 v5, v3;
	v6 =	vld.idx.msk [tilespmem:v6+s8+$0x0], $0xffff  }
0x350: {  	v33 =	vmax.f32 v9, $-1.700000000e+01;
	vm5 =	vgt.s32 v8, $0x0  }
0x351: {  	v5 =	vmin.f32 v33, $8.000000000e+00;
	v32 =	vnsel vm5, $0x0, v8;
	v3 =	vmul.f32 v3, v31  }
0x352: {  	v5 =	vadd.f32 $1.700000000e+01, v5;
	v4 =	vmin.u32 v32, $0x1F4  }
0x353: {  	v34 =	vshll.u32 v4, $0x3  }
0x354: {  	v5 =	vadd.f32 $5.000000070e-02, v5;
	v8 =	vand.u32 $0xC00, v34;
	v6 =	vadd.f32 v3, v6  }
0x355: {  	v8 =	vor.u32 v8, v4;
	v3 =	vpop (erf)  }
0x356: {  	v36 =	vmul.f32 v5, v0;
	v8 =	vor.u32 $0x180, v8;
	v6 =	vsub.f32 $0.0e+00, v6;
	v35 =	vpop (erf)  }
0x357: {  	v9 =	vadd.f32 $1.000000000e+00, v35  }
0x358: {  	v37 =	vtrunc.f32 v36;
	v6 =	vmul.f32 $1.442695020e+00, v6  }
0x359: {  	s22 =	sor.u32 $0x1F0, s17;
	v4 =	vcvt.s32.f32 v4;
	(erf) = vrcp.f32 v9  }
0x35a: {  	v10 =	vld [tilespmem:s22+$0x0];
	(erf) = vpow2.f32 v6;
	v6 =	vcvt.f32.s32 v37  }
0x35b: {  	v38 =	vld.idx.msk [tilespmem:v8+s9+$0x0], $0xffff  }
0x35c: {  	v4 =	vmul.f32 $5.000000070e-02, v4;
	vm6 =	vgt.s32 v6, $0x0  }
0x35d: {  	v8 =	vld.idx.msk [tilespmem:v8+s8+$0x0], $0xffff;
	v6 =	vnsel vm6, $0x0, v6  }
0x35e: {  	v4 =	vsub.f32 v7, v4;
	v6 =	vmin.u32 v6, $0x1F4  }
0x35f: {  	v39 =	vshll.u32 v6, $0x3  }
0x360: {  	v10 =	vmax.f32 v10, $-1.700000000e+01;
	v7 =	vmul.f32 v4, v38;
	v40 =	vand.u32 $0xC00, v39  }
0x361: {  	v42 =	vmin.f32 v10, $8.000000000e+00;
	v41 =	vor.u32 v40, v6  }
0x362: {  	v9 =	vadd.f32 $1.700000000e+01, v42;
	v7 =	vadd.f32 v7, v8;
	v8 =	vor.u32 $0x180, v41  }
0x363: {  	v4 =	vpop (erf)  }
0x364: {  	v9 =	vadd.f32 $5.000000070e-02, v9;
	v7 =	vsub.f32 $0.0e+00, v7;
	v43 =	vpop (erf)  }
0x365: {  	s23 =	sor.u32 $0x380, s17;
	v6 =	vcvt.s32.f32 v6;
	v10 =	vadd.f32 $1.000000000e+00, v43  }
0x366: {  	v11 =	vld [tilespmem:s23+$0x0];
	v44 =	vmul.f32 v9, v0;
	v7 =	vmul.f32 $1.442695020e+00, v7  }
0x367: {  	v6 =	vmul.f32 $5.000000070e-02, v6;
	(erf) = vrcp.f32 v10;
	v45 =	vld.idx.msk [tilespmem:v8+s9+$0x0], $0xffff  }
0x368: {  	v10 =	vtrunc.f32 v44;
	(erf) = vpow2.f32 v7  }
0x369: {  	v10 =	vcvt.f32.s32 v10  }
0x36a: {  	v5 =	vsub.f32 v5, v6;
	v8 =	vld.idx.msk [tilespmem:v8+s8+$0x0], $0xffff  }
0x36b: {  	vm7 =	vgt.s32 v10, $0x0  }
0x36c: {  	v47 =	vmax.f32 v11, $-1.700000000e+01;
	v46 =	vnsel vm7, $0x0, v10;
	v5 =	vmul.f32 v5, v45  }
0x36d: {  	v7 =	vmin.f32 v47, $8.000000000e+00;
	v6 =	vmin.u32 v46, $0x1F4  }
0x36e: {  	v7 =	vadd.f32 $1.700000000e+01, v7;
	v48 =	vshll.u32 v6, $0x3  }
0x36f: {  	v10 =	vand.u32 $0xC00, v48;
	v8 =	vadd.f32 v5, v8  }
0x370: {  	v7 =	vadd.f32 $5.000000070e-02, v7;
	v10 =	vor.u32 v10, v6;
	v5 =	vpop (erf)  }
0x371: {  	v10 =	vor.u32 $0x180, v10;
	v8 =	vsub.f32 $0.0e+00, v8;
	v49 =	vpop (erf)  }
0x372: {  	v50 =	vmul.f32 v7, v0;
	v11 =	vadd.f32 $1.000000000e+00, v49  }
0x373: {  	v6 =	vcvt.s32.f32 v6;
	v8 =	vmul.f32 $1.442695020e+00, v8  }
0x374: {  	s24 =	sor.u32 $0x390, s17;
	v51 =	vtrunc.f32 v50;
	(erf) = vrcp.f32 v11  }
0x375: {  	v12 =	vld [tilespmem:s24+$0x0];
	(erf) = vpow2.f32 v8;
	v8 =	vcvt.f32.s32 v51  }
0x376: {  	v52 =	vld.idx.msk [tilespmem:v10+s9+$0x0], $0xffff  }
0x377: {  	v6 =	vmul.f32 $5.000000070e-02, v6;
	vm8 =	vgt.s32 v8, $0x0  }
0x378: {  	v10 =	vld.idx.msk [tilespmem:v10+s8+$0x0], $0xffff;
	v8 =	vnsel vm8, $0x0, v8  }
0x379: {  	v6 =	vsub.f32 v9, v6;
	v8 =	vmin.u32 v8, $0x1F4  }
0x37a: {  	v12 =	vmax.f32 v12, $-1.700000000e+01;
	v53 =	vshll.u32 v8, $0x3  }
0x37b: {  	v56 =	vmin.f32 v12, $8.000000000e+00;
	v9 =	vmul.f32 v6, v52;
	v54 =	vand.u32 $0xC00, v53  }
0x37c: {  	v11 =	vadd.f32 $1.700000000e+01, v56;
	v55 =	vor.u32 v54, v8  }
0x37d: {  	v9 =	vadd.f32 v9, v10;
	v10 =	vor.u32 $0x180, v55  }
0x37e: {  	v11 =	vadd.f32 $5.000000070e-02, v11;
	v6 =	vpop (erf)  }
0x37f: {  	v8 =	vcvt.s32.f32 v8;
	v9 =	vsub.f32 $0.0e+00, v9;
	v57 =	vpop (erf)  }
0x380: {  	s25 =	sor.u32 $0x3A0, s17;
	v58 =	vmul.f32 v11, v0;
	v12 =	vadd.f32 $1.000000000e+00, v57  }
0x381: {  	v13 =	vld [tilespmem:s25+$0x0];
	v8 =	vmul.f32 $5.000000070e-02, v8;
	v9 =	vmul.f32 $1.442695020e+00, v9  }
0x382: {  	(erf) = vrcp.f32 v12;
	v12 =	vtrunc.f32 v58;
	v59 =	vld.idx.msk [tilespmem:v10+s9+$0x0], $0xffff  }
0x383: {  	(erf) = vpow2.f32 v9;
	v12 =	vcvt.f32.s32 v12;
	_ =	sdelay $0x1  }
0x384: {  	v7 =	vsub.f32 v7, v8;
	v10 =	vld.idx.msk [tilespmem:v10+s8+$0x0], $0xffff;
	vm9 =	vgt.s32 v12, $0x0  }
0x385: {  	v60 =	vnsel vm9, $0x0, v12  }
0x386: {  	v61 =	vmax.f32 v13, $-1.700000000e+01;
	v8 =	vmin.u32 v60, $0x1F4;
	v7 =	vmul.f32 v7, v59  }
0x387: {  	v9 =	vmin.f32 v61, $8.000000000e+00;
	v62 =	vshll.u32 v8, $0x3  }
0x388: {  	v9 =	vadd.f32 $1.700000000e+01, v9;
	v12 =	vand.u32 $0xC00, v62  }
0x389: {  	v10 =	vadd.f32 v7, v10;
	v12 =	vor.u32 v12, v8  }
0x38a: {  	v9 =	vadd.f32 $5.000000070e-02, v9;
	v12 =	vor.u32 $0x180, v12;
	v7 =	vpop (erf)  }
0x38b: {  	v10 =	vsub.f32 $0.0e+00, v10;
	v63 =	vpop (erf)  }
0x38c: {  	v16 =	vmul.f32 v9, v0;
	v13 =	vadd.f32 $1.000000000e+00, v63  }
0x38d: {  	s26 =	sor.u32 $0x3B0, s17;
	v8 =	vcvt.s32.f32 v8;
	v10 =	vmul.f32 $1.442695020e+00, v10  }
0x38e: {  	v14 =	vld [tilespmem:s26+$0x0];
	v17 =	vtrunc.f32 v16;
	(erf) = vrcp.f32 v13  }
0x38f: {  	v18 =	vld.idx.msk [tilespmem:v12+s9+$0x0], $0xffff;
	(erf) = vpow2.f32 v10;
	v10 =	vcvt.f32.s32 v17  }
0x390: {  	v8 =	vmul.f32 $5.000000070e-02, v8  }
0x391: {  	v12 =	vld.idx.msk [tilespmem:v12+s8+$0x0], $0xffff;
	vm10 =	vgt.s32 v10, $0x0  }
0x392: {  	v8 =	vsub.f32 v11, v8;
	v10 =	vnsel vm10, $0x0, v10  }
0x393: {  	v14 =	vmax.f32 v14, $-1.700000000e+01;
	v10 =	vmin.u32 v10, $0x1F4  }
0x394: {  	v22 =	vmin.f32 v14, $8.000000000e+00;
	v11 =	vmul.f32 v8, v18;
	v19 =	vshll.u32 v10, $0x3  }
0x395: {  	v13 =	vadd.f32 $1.700000000e+01, v22;
	v20 =	vand.u32 $0xC00, v19  }
0x396: {  	v11 =	vadd.f32 v11, v12;
	v21 =	vor.u32 v20, v10  }
0x397: {  	v13 =	vadd.f32 $5.000000070e-02, v13;
	v8 =	vpop (erf);
	v12 =	vor.u32 $0x180, v21  }
0x398: {  	v11 =	vsub.f32 $0.0e+00, v11;
	v23 =	vpop (erf)  }
0x399: {  	v24 =	vmul.f32 v13, v0;
	v14 =	vadd.f32 $1.000000000e+00, v23  }
0x39a: {  	s28 =	sor.u32 $0x3C0, s17;
	v10 =	vcvt.s32.f32 v10;
	v11 =	vmul.f32 $1.442695020e+00, v11  }
0x39b: {  	v15 =	vld [tilespmem:s28+$0x0];
	(erf) = vrcp.f32 v14;
	v14 =	vtrunc.f32 v24  }
0x39c: {  	(erf) = vpow2.f32 v11;
	v25 =	vld.idx.msk [tilespmem:v12+s9+$0x0], $0xffff;
	v14 =	vcvt.f32.s32 v14  }
0x39d: {  	v10 =	vmul.f32 $5.000000070e-02, v10  }
0x39e: {  	v12 =	vld.idx.msk [tilespmem:v12+s8+$0x0], $0xffff;
	vm11 =	vgt.s32 v14, $0x0  }
0x39f: {  	v9 =	vsub.f32 v9, v10;
	v26 =	vnsel vm11, $0x0, v14  }
0x3a0: {  	v27 =	vmax.f32 v15, $-1.700000000e+01;
	v10 =	vmin.u32 v26, $0x1F4  }
0x3a1: {  	v11 =	vmin.f32 v27, $8.000000000e+00;
	v9 =	vmul.f32 v9, v25;
	v28 =	vshll.u32 v10, $0x3  }
0x3a2: {  	v11 =	vadd.f32 $1.700000000e+01, v11;
	v14 =	vand.u32 $0xC00, v28  }
0x3a3: {  	v12 =	vadd.f32 v9, v12;
	v14 =	vor.u32 v14, v10  }
0x3a4: {  	v11 =	vadd.f32 $5.000000070e-02, v11;
	v29 =	vpop (erf);
	v14 =	vor.u32 $0x180, v14  }
0x3a5: {  	v30 =	vpop (erf);
	v12 =	vsub.f32 $0.0e+00, v12  }
0x3a6: {  	v31 =	vmul.f32 v11, v0;
	v15 =	vadd.f32 $1.000000000e+00, v30  }
0x3a7: {  	s29 =	sor.u32 $0x3D0, s17;
	v10 =	vcvt.s32.f32 v10;
	v12 =	vmul.f32 $1.442695020e+00, v12  }
0x3a8: {  	v16 =	vld [tilespmem:s29+$0x0];
	v32 =	vtrunc.f32 v31;
	(erf) = vrcp.f32 v15  }
0x3a9: {  	(erf) = vpow2.f32 v12;
	v33 =	vld.idx.msk [tilespmem:v14+s9+$0x0], $0xffff;
	v12 =	vcvt.f32.s32 v32  }
0x3aa: {  	v10 =	vmul.f32 $5.000000070e-02, v10  }
0x3ab: {  	v14 =	vld.idx.msk [tilespmem:v14+s8+$0x0], $0xffff;
	vm12 =	vgt.s32 v12, $0x0  }
0x3ac: {  	v10 =	vsub.f32 v13, v10;
	v12 =	vnsel vm12, $0x0, v12  }
0x3ad: {  	v12 =	vmin.u32 v12, $0x1F4  }
0x3ae: {  	v35 =	vmax.f32 v16, $-1.700000000e+01;
	v10 =	vmul.f32 v10, v33;
	v34 =	vshll.u32 v12, $0x3  }
0x3af: {  	v37 =	vmin.f32 v35, $8.000000000e+00;
	v13 =	vand.u32 $0xC00, v34  }
0x3b0: {  	v10 =	vadd.f32 v10, v14;
	v13 =	vor.u32 v13, v12;
	v14 =	vadd.f32 $1.700000000e+01, v37  }
0x3b1: {  	v13 =	vor.u32 $0x180, v13  }
0x3b2: {  	v36 =	vpop (erf);
	v14 =	vadd.f32 $5.000000070e-02, v14  }
0x3b3: {  	v12 =	vcvt.s32.f32 v12;
	v38 =	vpop (erf);
	v10 =	vsub.f32 $0.0e+00, v10  }
0x3b4: {  	s30 =	sor.u32 $0x3E0, s17;
	v15 =	vadd.f32 $1.000000000e+00, v38;
	v39 =	vmul.f32 v14, v0  }
0x3b5: {  	v17 =	vld [tilespmem:s30+$0x0];
	v12 =	vmul.f32 $5.000000070e-02, v12;
	v10 =	vmul.f32 $1.442695020e+00, v10  }
0x3b6: {  	(erf) = vrcp.f32 v15;
	v40 =	vld.idx.msk [tilespmem:v13+s9+$0x0], $0xffff;
	v15 =	vtrunc.f32 v39  }
0x3b7: {  	(erf) = vpow2.f32 v10;
	v15 =	vcvt.f32.s32 v15  }
0x3b8: {  	v13 =	vld.idx.msk [tilespmem:v13+s8+$0x0], $0xffff  }
0x3b9: {  	v11 =	vsub.f32 v11, v12;
	vm13 =	vgt.s32 v15, $0x0  }
0x3ba: {  	v42 =	vmax.f32 v17, $-1.700000000e+01;
	v41 =	vnsel vm13, $0x0, v15  }
0x3bb: {  	v12 =	vmin.f32 v42, $8.000000000e+00;
	v10 =	vmul.f32 v11, v40;
	v11 =	vmin.u32 v41, $0x1F4  }
0x3bc: {  	v12 =	vadd.f32 $1.700000000e+01, v12;
	v43 =	vshll.u32 v11, $0x3  }
0x3bd: {  	v10 =	vadd.f32 v10, v13;
	v13 =	vand.u32 $0xC00, v43  }
0x3be: {  	v12 =	vadd.f32 $5.000000070e-02, v12;
	v13 =	vor.u32 v13, v11  }
0x3bf: {  	v44 =	vpop (erf);
	v13 =	vor.u32 $0x180, v13  }
0x3c0: {  	v46 =	vmul.f32 v12, v0;
	v45 =	vpop (erf);
	v10 =	vsub.f32 $0.0e+00, v10  }
0x3c1: {  	v17 =	vadd.f32 $1.000000000e+00, v45  }
0x3c2: {  	s31 =	sor.u32 $0x3F0, s17;
	v48 =	vtrunc.f32 v46;
	v10 =	vmul.f32 $1.442695020e+00, v10  }
0x3c3: {  	v49 =	vld [tilespmem:s31+$0x0];
	v47 =	vcvt.s32.f32 v11;
	(erf) = vrcp.f32 v17  }
0x3c4: {  	v11 =	vcvt.f32.s32 v48;
	(erf) = vpow2.f32 v10;
	v18 =	vld.idx.msk [tilespmem:v13+s9+$0x0], $0xffff  }
0x3c5: {  	v10 =	vmul.f32 $5.000000070e-02, v47  }
0x3c6: {  	vm14 =	vgt.s32 v11, $0x0;
	v13 =	vld.idx.msk [tilespmem:v13+s8+$0x0], $0xffff  }
0x3c7: {  	v11 =	vnsel vm14, $0x0, v11;
	v10 =	vsub.f32 v14, v10  }
0x3c8: {  	v50 =	vmax.f32 v49, $-1.700000000e+01;
	v11 =	vmin.u32 v11, $0x1F4  }
0x3c9: {  	v51 =	vshll.u32 v11, $0x3;
	v14 =	vmin.f32 v50, $8.000000000e+00;
	v10 =	vmul.f32 v10, v18  }
0x3ca: {  	v17 =	vand.u32 $0xC00, v51;
	v14 =	vadd.f32 $1.700000000e+01, v14  }
0x3cb: {  	v53 =	vor.u32 v17, v11;
	v10 =	vadd.f32 v10, v13  }
0x3cc: {  	v14 =	vadd.f32 $5.000000070e-02, v14;
	v52 =	vpop (erf);
	v13 =	vor.u32 $0x180, v53  }
0x3cd: {  	v54 =	vpop (erf);
	v10 =	vsub.f32 $0.0e+00, v10  }
0x3ce: {  	v19 =	vmul.f32 v14, v0;
	v17 =	vadd.f32 $1.000000000e+00, v54  }
0x3cf: {  	v11 =	vcvt.s32.f32 v11;
	v10 =	vmul.f32 $1.442695020e+00, v10  }
0x3d0: {  	v55 =	vtrunc.f32 v19;
	(erf) = vrcp.f32 v17  }
0x3d1: {  	v17 =	vcvt.f32.s32 v55;
	v56 =	vld.idx.msk [tilespmem:v13+s9+$0x0], $0xffff;
	(erf) = vpow2.f32 v10  }
0x3d2: {  	v11 =	vmul.f32 $5.000000070e-02, v11  }
0x3d3: {  	v13 =	vld.idx.msk [tilespmem:v13+s8+$0x0], $0xffff;
	vm15 =	vgt.s32 v17, $0x0  }
0x3d4: {  	v11 =	vsub.f32 v12, v11;
	v57 =	vnsel vm15, $0x0, v17  }
0x3d5: {  	v12 =	vmin.u32 v57, $0x1F4  }
0x3d6: {  	v58 =	vshll.u32 v12, $0x3;
	v10 =	vmul.f32 v11, v56  }
0x3d7: {  	v11 =	vand.u32 $0xC00, v58  }
0x3d8: {  	v11 =	vor.u32 v11, v12;
	v10 =	vadd.f32 v10, v13  }
0x3d9: {  	v11 =	vor.u32 $0x180, v11;
	v59 =	vpop (erf)  }
0x3da: {  	v10 =	vsub.f32 $0.0e+00, v10;
	v60 =	vpop (erf)  }
0x3db: {  	v17 =	vadd.f32 $1.000000000e+00, v60  }
0x3dc: {  	v10 =	vmul.f32 $1.442695020e+00, v10  }
0x3dd: {  	v12 =	vcvt.s32.f32 v12;
	(erf) = vrcp.f32 v17  }
0x3de: {  	v61 =	vld.idx.msk [tilespmem:v11+s9+$0x0], $0xffff;
	(erf) = vpow2.f32 v10  }
0x3df: {  	v12 =	vmul.f32 $5.000000070e-02, v12  }
0x3e0: {  	v11 =	vld.idx.msk [tilespmem:v11+s8+$0x0], $0xffff  }
0x3e1: {  	v12 =	vsub.f32 v14, v12;
	_ =	sdelay $0x1  }
0x3e2: {  	v10 =	vmul.f32 v12, v61;
	_ =	sdelay $0x1  }
0x3e3: {  	v10 =	vadd.f32 v10, v11  }
0x3e4: {  	v62 =	vpop (erf)  }
0x3e5: {  	v10 =	vsub.f32 $0.0e+00, v10;
	v63 =	vpop (erf)  }
0x3e6: {  	v12 =	vadd.f32 $1.000000000e+00, v63  }
0x3e7: {  	v10 =	vmul.f32 $1.442695020e+00, v10  }
0x3e8: {  	(erf) = vrcp.f32 v12  }
0x3e9: {  	(erf) = vpow2.f32 v10;
	_ =	sdelay $0x6  }
0x3ea: {  	[tilespmem:s17+$0x2980] =	vst v1  }
0x3eb: {  	[tilespmem:s17+$0x2990] =	vst v2;
	v1 =	vpop (erf)  }
0x3ec: {  	[tilespmem:s17+$0x29A0] =	vst v3;
	v2 =	vpop (erf)  }
0x3ed: {  	[tilespmem:s17+$0x29B0] =	vst v4;
	v2 =	vadd.f32 $1.000000000e+00, v2  }
0x3ee: {  	[tilespmem:s17+$0x29C0] =	vst v5  }
0x3ef: {  	[tilespmem:s17+$0x29D0] =	vst v6;
	(erf) = vrcp.f32 v2  }
0x3f0: {  	[tilespmem:s17+$0x29E0] =	vst v7  }
0x3f1: {  	[tilespmem:s17+$0x29F0] =	vst v8  }
0x3f2: {  	[tilespmem:s17+$0x2B80] =	vst v29  }
0x3f3: {  	[tilespmem:s17+$0x2B90] =	vst v36  }
0x3f4: {  	p1 =	por p0, p0;
	[tilespmem:s17+$0x2BA0] =	vst v44  }
.Ltmp3:
0x3f5: {  	[tilespmem:s17+$0x2BB0] =	vst v52;
	(pc) =	sbr.rel @p1 .LBB2_7-.Ltmp3, $4  }
0x3f6: {  	[tilespmem:s17+$0x2BC0] =	vst v59  }
0x3f7: {  	[tilespmem:s17+$0x2BD0] =	vst v62  }
0x3f8: {  	[tilespmem:s17+$0x2BE0] =	vst v1;
	v1 =	vpop (erf)  }
0x3f9: {  	p0 =	por $0x0, $0x0;
	[tilespmem:s17+$0x2BF0] =	vst v1;
	s17 =	simm.s32 $0x400  }
0x3fa: {  	s15 =	sadd.s32 $0x1, s15  }
0x3fb: {  	p0 =	sne.s32 s15, s7  }
.Ltmp4:
0x3fc: {  	_ = 	snop;
	(pc) =	sbr.rel @p0 .LBB2_1-.Ltmp4, $4  }
0x3fd: {  	[hbm4b:s6+s3] =	stream.linear.scatter [tilespmem:s13], [sflag:$0x4], $0x800, $0x38;
	[tilespmem:$0x3000] =	vst v63  }
0x3fe: {  	_ =	swait.ge [sflag:s14], $0x800  }
0x3ff: {  	[sflag:s14] =	ssyncset.done $0x0  }
0x400: {  	[sflag:s14] =	ssyncadd.s32 $0xFFFFF800  }
0x401: {  	_ =	sfence.sel $0x180000  }
0x402: {  	[bflag:$0x0] =	sbarrier.arrive $0xFFFF  }
0x403: {  	p0 =	sne.s32 s4, $0x0;
	_ =	strace $0x90000047  }
0x404: {  	s0 =	sadd.s32 @!p0 $0x100000, s0;
	[bflag:$0x2] =	sbarrier.arrive $0xFFFF  }
0x405: {  	[sflag:s0] =	ssyncadd.tile.s32 @!p0 $0x1;
	_ =	shalt  }
.Lfunc_end2:
_tile_overlayer_lowered:
.L_overlay_start_2:
0x406: {  	(tag) =	ssettag $0x2  }
0x407: {  	s0 =	rddreg [dreg:$0x0];
	s2 =	stileid.u32  }
0x408: {  	s1 =	rddreg [dreg:$0x1];
	p0 =	sne.s32 s2, $0x0  }
0x409: {  	s3 =	rddreg [dreg:$0x2];
	[bflag:$0x3] =	sbarrier.arrive $0xFFFF;
	s2 =	simm.s32 @!p0 $0x1C04  }
0x40a: {  	[timem:s3], [sflag:s2] =	dma.local @!p0 [hbm:s0], s1  }
0x40b: {  	s0 =	simm.s32 @!p0 $0x4  }
0x40c: {  	_ =	swait.ge @!p0 [sflag:s0], s1  }
0x40d: {  	s1 =	ssub.s32 @!p0 $0x0, s1;
	[sflag:s0] =	ssyncset.done @!p0 $0x0  }
0x40e: {  	[sflag:s0] =	ssyncadd.s32 @!p0 s1  }
0x40f: {  	[bflag:$0x3] =	sbarrier.arrive $0xFFFF  }
0x410: {  	_ =	shalt  }

</sc_bundles>
